<compile_context>
chip_gen: v7x
topology: tpu7x:2x2x1
jax: 0.10.2.dev20260603
libtpu: 0.0.44.dev20260713+nightly
codegen_flags: <defaults>
</compile_context>

<pallas_src>
import functools

import jax
import jax.numpy as jnp
from jax import lax
from jax.experimental import pallas as pl
from jax.experimental.pallas import tpu as pltpu
from jax.experimental.pallas import tpu_sc as plsc

NC = 2
NS = 16
NW = NC * NS
C = 128


def _deg_kernel(n_pad, ew):
  zr = n_pad // NS
  mesh = plsc.VectorSubcoreMesh(core_axis_name="c", subcore_axis_name="s")

  @functools.partial(
      pl.kernel,
      out_type=jax.ShapeDtypeStruct((NC, n_pad), jnp.float32),
      mesh=mesh,
      compiler_params=pltpu.CompilerParams(needs_layout_passes=False),
      scratch_types=[
          pltpu.VMEM((ew,), jnp.int32),
          pltpu.VMEM((n_pad,), jnp.float32),
          pltpu.VMEM((NS, zr), jnp.float32),
          pltpu.VMEM((zr,), jnp.float32),
          pltpu.VMEM_SHARED((NS, n_pad), jnp.float32),
      ],
  )
  def k(dst_hbm, out_hbm, dst_v, deg_v, part_v, sum_v, stage):
    c = lax.axis_index("c")
    s = lax.axis_index("s")
    w = c * NS + s

    @pl.loop(0, n_pad // 16)
    def _(i):
      deg_v[pl.ds(pl.multiple_of(i * 16, 16), 16)] = jnp.zeros(
          (16,), jnp.float32)

    pltpu.sync_copy(dst_hbm.at[w], dst_v)

    @pl.loop(0, ew // 16)
    def _(i):
      idx = dst_v[pl.ds(pl.multiple_of(i * 16, 16), 16)]
      plsc.addupdate_scatter(deg_v, [idx], jnp.ones((16,), jnp.float32))

    pltpu.sync_copy(deg_v, stage.at[s])
    plsc.subcore_barrier()
    pltpu.sync_copy(stage.at[:, pl.ds(s * zr, zr)], part_v)

    @pl.loop(0, zr // 16)
    def _(j):
      sl = pl.ds(pl.multiple_of(j * 16, 16), 16)
      acc16 = part_v[0, sl]
      for t in range(1, NS):
        acc16 = acc16 + part_v[t, sl]
      sum_v[sl] = acc16

    pltpu.sync_copy(sum_v, out_hbm.at[c, pl.ds(s * zr, zr)])

  return k


def _edge_agg_kernel(n, n_pad, ga, gb, d):
  zr = n_pad // NS
  mesh = plsc.VectorSubcoreMesh(core_axis_name="c", subcore_axis_name="s")

  @functools.partial(
      pl.kernel,
      out_type=jax.ShapeDtypeStruct((NC, n_pad, d), jnp.float32),
      mesh=mesh,
      scratch_types=[
          pltpu.VMEM((C,), jnp.int32),
          pltpu.VMEM((C,), jnp.int32),
          pltpu.VMEM((C, d), jnp.float32),
          pltpu.VMEM_SHARED((n_pad, d), jnp.float32),
          pltpu.SemaphoreType.DMA,
      ],
  )
  def k(h_hbm, src_hbm, dst_hbm, zeros_hbm, out_hbm, src_v, dst_v, rows_v,
        acc, sem):
    c = lax.axis_index("c")
    s = lax.axis_index("s")
    w = c * NS + s
    gw = jnp.where(c == 0, ga, gb)

    pltpu.sync_copy(zeros_hbm, acc.at[pl.ds(s * zr, zr)])
    plsc.subcore_barrier()

    @pl.loop(0, gw)
    def _(i):
      pltpu.sync_copy(src_hbm.at[w, i], src_v)
      pltpu.sync_copy(dst_hbm.at[w, i], dst_v)
      pltpu.async_copy(h_hbm.at[src_v], rows_v, sem).wait()
      pltpu.sync_copy(rows_v, acc.at[dst_v], add=True)

    plsc.subcore_barrier()
    pltpu.sync_copy(acc.at[pl.ds(s * zr, zr)], out_hbm.at[c, pl.ds(s * zr, zr)])

  return k


def _mm_scale_kernel(x_ref, w_ref, dis_ref, out_ref):
  out_ref[...] = dis_ref[...] * jnp.dot(
      x_ref[...], w_ref[...], preferred_element_type=jnp.float32)


def _mid_kernel(p_ref, hp_ref, dis_ref, b_ref, w_ref, out_ref):
  agg = p_ref[0] + p_ref[1] + hp_ref[...]
  t = jnp.maximum(dis_ref[...] * agg + b_ref[...], 0.0)
  out_ref[...] = dis_ref[...] * jnp.dot(
      t, w_ref[...], preferred_element_type=jnp.float32)


def _final_kernel(p_ref, hp_ref, dis_ref, b_ref, out_ref):
  agg = p_ref[0] + p_ref[1] + hp_ref[...]
  out_ref[...] = dis_ref[...] * agg + b_ref[...]


def kernel(x, edge_index, W1, b1, W2, b2):
  n, d_in = x.shape
  d_hid = W1.shape[1]
  d_out = W2.shape[1]
  e = edge_index.shape[1]

  n_deg = ((n + 2048) // 2048) * 2048
  n_pad = ((n + 128) // 128) * 128
  if n_pad == n:
    n_pad += 128
  zr = n_pad // NS
  quantum = NW * C
  e_pad = ((e + quantum - 1) // quantum) * quantum
  g = e_pad // (NW * C)

  src = edge_index[0].astype(jnp.int32)
  dst = edge_index[1].astype(jnp.int32)
  src = jnp.concatenate([src, jnp.zeros((e_pad - e,), jnp.int32)])
  dst = jnp.concatenate(
      [dst, jnp.full((e_pad - e,), n_pad - 1, jnp.int32)])
  dst_flat = dst.reshape(NW, g * C)

  ga = (3 * (2 * g)) // 5
  gb = 2 * g - ga
  npd = n_pad - 1
  ea = NS * ga * C
  srcA = src[:ea].reshape(NS, ga, C)
  dstA = dst[:ea].reshape(NS, ga, C)
  eb = NS * gb * C
  srcB = src[ea:ea + eb].reshape(NS, gb, C)
  dstB = dst[ea:ea + eb].reshape(NS, gb, C)
  if ga > gb:
    padB = jnp.zeros((NS, ga - gb, C), jnp.int32)
    srcB = jnp.concatenate([srcB, padB], axis=1)
    dstB = jnp.concatenate([dstB, jnp.full((NS, ga - gb, C), npd,
                                           jnp.int32)], axis=1)
  src_agg = jnp.concatenate([srcA, srcB], axis=0)
  dst_agg = jnp.concatenate([dstA, dstB], axis=0)
  zeros_init = jnp.zeros((zr, d_hid), jnp.float32)

  degp = _deg_kernel(n_deg, g * C)(dst_flat)
  deg = degp[0, :n] + degp[1, :n] + 1.0
  dis = lax.rsqrt(deg)[:, None]

  r = 400
  grid = (n // r,)
  row_spec = lambda d: pl.BlockSpec((r, d), lambda i: (i, 0))
  dis_spec = pl.BlockSpec((r, 1), lambda i: (i, 0))
  full_spec = lambda a, b: pl.BlockSpec((a, b), lambda i: (0, 0))
  part_spec = lambda d: pl.BlockSpec((NC, r, d), lambda i: (0, i, 0))

  h1p = pl.pallas_call(
      _mm_scale_kernel,
      grid=grid,
      in_specs=[row_spec(d_in), full_spec(d_in, d_hid), dis_spec],
      out_specs=row_spec(d_hid),
      out_shape=jax.ShapeDtypeStruct((n, d_hid), jnp.float32),
  )(x, W1, dis)

  agg = _edge_agg_kernel(n, n_pad, ga, gb, d_hid)

  s1 = agg(h1p, src_agg, dst_agg, zeros_init)

  h2p = pl.pallas_call(
      _mid_kernel,
      grid=grid,
      in_specs=[part_spec(d_hid), row_spec(d_hid), dis_spec,
                full_spec(1, d_hid), full_spec(d_hid, d_out)],
      out_specs=row_spec(d_out),
      out_shape=jax.ShapeDtypeStruct((n, d_out), jnp.float32),
  )(s1, h1p, dis, b1.reshape(1, d_hid), W2)

  s2 = agg(h2p, src_agg, dst_agg, zeros_init)

  out = pl.pallas_call(
      _final_kernel,
      grid=grid,
      in_specs=[part_spec(d_out), row_spec(d_out), dis_spec,
                full_spec(1, d_out)],
      out_specs=row_spec(d_out),
      out_shape=jax.ShapeDtypeStruct((n, d_out), jnp.float32),
  )(s2, h2p, dis, b2.reshape(1, d_out))

  return out

# --- scband reference (transcript-rebuilt; emitter-appended) ---
"""Pipeline reference for scband-gcn-20452634263695 (READ-ONLY COPY).

The authoritative reference and input builder live on the scoring server;
editing this copy changes nothing except your own understanding.
"""

import jax, jax.numpy as jnp
import numpy as np


def gcn_conv(x, edge_index, W, b):
    N = x.shape[0]
    src = edge_index[0]
    dst = edge_index[1]
    # add self loops
    loop = jnp.arange(N, dtype=edge_index.dtype)
    src = jnp.concatenate([src, loop])
    dst = jnp.concatenate([dst, loop])
    # linear transform first (standard GCNConv)
    xw = x @ W
    # symmetric normalization D^{-1/2} (A+I) D^{-1/2}
    deg = jnp.zeros((N,), dtype=x.dtype).at[dst].add(1.0)
    deg_inv_sqrt = jnp.where(deg > 0, 1.0 / jnp.sqrt(deg), 0.0)
    norm = deg_inv_sqrt[src] * deg_inv_sqrt[dst]
    msg = xw[src] * norm[:, None]
    out = jax.ops.segment_sum(msg, dst, num_segments=N)
    return out + b


def setup_inputs(seed: int = 0) -> dict:
    key = jax.random.key(seed)
    k1, k2, k3, k4, k5, k6 = jax.random.split(key, 6)
    N, E, D_in, D_hid, D_out = 10000, 320000, 128, 128, 128
    x = jax.random.normal(k1, (N, D_in), dtype=jnp.float32)
    edge_index = jax.random.randint(k2, (2, E), 0, N, dtype=jnp.int64)
    s1 = (1.0 / np.sqrt(D_in)).astype(np.float32) if isinstance(np.sqrt(D_in), np.ndarray) else np.float32(1.0 / np.sqrt(D_in))
    s2 = np.float32(1.0 / np.sqrt(D_hid))
    W1 = jax.random.normal(k3, (D_in, D_hid), dtype=jnp.float32) * s1
    b1 = jnp.zeros((D_hid,), dtype=jnp.float32)
    W2 = jax.random.normal(k4, (D_hid, D_out), dtype=jnp.float32) * s2
    b2 = jnp.zeros((D_out,), dtype=jnp.float32)
    return {"x": x, "edge_index": edge_index, "W1": W1, "b1": b1, "W2": W2, "b2": b2}


def reference(x, edge_index, W1, b1, W2, b2):
    h = gcn_conv(x, edge_index, W1, b1)
    h = jax.nn.relu(h)
    # dropout is identity in eval mode
    out = gcn_conv(h, edge_index, W2, b2)
    return out

if __name__ == "__main__":
    import jax
    _d = setup_inputs()
    print(jax.jit(kernel)(*tuple(_d.values())))

</pallas_src>

<mosaic_0001>
#map = affine_map<(d0, d1) -> (0, 0)>
#map1 = affine_map<(d0, d1) -> (0, 0, 0)>
module attributes {stable_mosaic.version = 14 : i64} {
  func.func @k(%arg0: i32, %arg1: i32, %arg2: memref<10000x128xf32, #tpu.memory_space<hbm>>, %arg3: memref<32x94x128xi32, #tpu.memory_space<hbm>>, %arg4: memref<32x94x128xi32, #tpu.memory_space<hbm>>, %arg5: memref<632x128xf32, #tpu.memory_space<hbm>>, %arg6: memref<2x10112x128xf32, #tpu.memory_space<hbm>>, %arg7: memref<128xi32, #tpu.memory_space<vmem>>, %arg8: memref<128xi32, #tpu.memory_space<vmem>>, %arg9: memref<128x128xf32, #tpu.memory_space<vmem>>, %arg10: memref<10112x128xf32, #tpu.memory_space<vmem_shared>>, %arg11: memref<!tpu.dma_semaphore, #tpu.memory_space<semaphore_mem>>) attributes {dimension_semantics = [#tpu.dimension_semantics<core_parallel>, #tpu.dimension_semantics<subcore_parallel>], iteration_bounds = array<i64: 2, 16>, scalar_prefetch = 0 : i64, scratch_operands = 5 : i64, tpu.core_type = #tpu.core_type<sc_vector_subcore>, window_params = [{transform_indices = #map}, {transform_indices = #map1}, {transform_indices = #map1}, {transform_indices = #map}, {transform_indices = #map1}]} {
    %mul3A = arith.constant 16 : i32
    %mul3A_0 = arith.muli %arg0, %mul3A : i32
    %add3A = arith.addi %mul3A_0, %arg1 : i32
    %eq3A = arith.constant 0 : i32
    %eq3A_1 = arith.cmpi eq, %arg0, %eq3A : i32
    %jit3A = arith.constant 94 : i32
    %jit3A_2 = arith.constant 64 : i32
    %select_n3A = arith.select %eq3A_1, %jit3A, %jit3A_2 : i32
    %mul3A_3 = arith.constant 632 : i32
    %mul3A_4 = arith.muli %arg1, %mul3A_3 : i32
    "tpu.region"() ({
      %run_scoped3A = tpu.sem_alloc : memref<!tpu.dma_semaphore, #tpu.memory_space<semaphore_mem>>
      %dma_start3A = arith.constant 0 : i32
      %dma_start3A_26 = tpu.memref_slice %arg10[%mul3A_4, %dma_start3A] : memref<10112x128xf32, #tpu.memory_space<vmem_shared>> -> memref<632x128xf32, #tpu.memory_space<vmem_shared>>
      tpu.enqueue_dma source(%arg5 : memref<632x128xf32, #tpu.memory_space<hbm>>) target(%dma_start3A_26 : memref<632x128xf32, #tpu.memory_space<vmem_shared>>) target_semaphore(%run_scoped3A : memref<!tpu.dma_semaphore, #tpu.memory_space<semaphore_mem>>)
      %dma_wait3A = arith.constant 0 : i32
      %dma_wait3A_27 = tpu.memref_slice %arg10[%mul3A_4, %dma_wait3A] : memref<10112x128xf32, #tpu.memory_space<vmem_shared>> -> memref<632x128xf32, #tpu.memory_space<vmem_shared>>
      tpu.wait_dma2 semaphore(%run_scoped3A : memref<!tpu.dma_semaphore, #tpu.memory_space<semaphore_mem>>) src(%arg5 : memref<632x128xf32, #tpu.memory_space<hbm>>) dst(%dma_wait3A_27 : memref<632x128xf32, #tpu.memory_space<vmem_shared>>)
      tpu.yield
    }) : () -> ()
    %barrier3A = arith.constant 0 : index
    tpu.barrier barrier_id(%barrier3A)
    %sub3A = arith.constant 0 : i32
    %sub3A_5 = arith.subi %select_n3A, %sub3A : i32
    %sub3A_6 = arith.constant 1 : i32
    %sub3A_7 = arith.constant 1 : i32
    %sub3A_8 = arith.subi %sub3A_6, %sub3A_7 : i32
    %add3A_9 = arith.addi %sub3A_5, %sub3A_8 : i32
    %div3A = arith.constant 1 : i32
    %div3A_10 = arith.divsi %add3A_9, %div3A : i32
    %while3A = arith.constant 1 : i32
    %while3A_11 = arith.constant 0 : i32
    %while3A_12 = arith.constant 0 : i32
    %while3A_13 = arith.subi %div3A_10, %while3A_12 : i32
    %while3A_14 = arith.addi %while3A_12, %while3A_13 : i32
    %while3A_15 = arith.constant 1 : i32
    %while3A_16 = arith.divsi %while3A_13, %while3A_15 : i32
    %while3A_17 = arith.muli %while3A_16, %while3A_15 : i32
    %while3A_18 = arith.addi %while3A_12, %while3A_17 : i32
    %while3A_19 = arith.constant 1 : i32
    scf.for %while3A_26 = %while3A_12 to %while3A_18 step %while3A_19  : i32 {
      %mul3A_27 = arith.muli %while3A_26, %while3A : i32
      %add3A_28 = arith.addi %while3A_11, %mul3A_27 : i32
      "tpu.region"() ({
        %run_scoped3A = tpu.sem_alloc : memref<!tpu.dma_semaphore, #tpu.memory_space<semaphore_mem>>
        %dma_start3A_33 = arith.constant 0 : i32
        %dma_start3A_34 = tpu.memref_slice %arg3[%add3A, %add3A_28, %dma_start3A_33] : memref<32x94x128xi32, #tpu.memory_space<hbm>> -> memref<1x1x128xi32, #tpu.memory_space<hbm>>
        %dma_start3A_35 = tpu.memref_squeeze %dma_start3A_34 : memref<1x1x128xi32, #tpu.memory_space<hbm>> -> memref<128xi32, #tpu.memory_space<hbm>>
        %dma_start3A_36 = arith.constant 0 : i32
        %dma_start3A_37 = tpu.memref_slice %arg3[%add3A, %add3A_28, %dma_start3A_36] : memref<32x94x128xi32, #tpu.memory_space<hbm>> -> memref<1x1x128xi32, #tpu.memory_space<hbm>>
        %dma_start3A_38 = tpu.memref_squeeze %dma_start3A_37 : memref<1x1x128xi32, #tpu.memory_space<hbm>> -> memref<128xi32, #tpu.memory_space<hbm>>
        tpu.enqueue_dma source(%dma_start3A_38 : memref<128xi32, #tpu.memory_space<hbm>>) target(%arg7 : memref<128xi32, #tpu.memory_space<vmem>>) target_semaphore(%run_scoped3A : memref<!tpu.dma_semaphore, #tpu.memory_space<semaphore_mem>>)
        %dma_wait3A_39 = arith.constant 0 : i32
        %dma_wait3A_40 = tpu.memref_slice %arg3[%add3A, %add3A_28, %dma_wait3A_39] : memref<32x94x128xi32, #tpu.memory_space<hbm>> -> memref<1x1x128xi32, #tpu.memory_space<hbm>>
        %dma_wait3A_41 = tpu.memref_squeeze %dma_wait3A_40 : memref<1x1x128xi32, #tpu.memory_space<hbm>> -> memref<128xi32, #tpu.memory_space<hbm>>
        %dma_wait3A_42 = arith.constant 0 : i32
        %dma_wait3A_43 = tpu.memref_slice %arg3[%add3A, %add3A_28, %dma_wait3A_42] : memref<32x94x128xi32, #tpu.memory_space<hbm>> -> memref<1x1x128xi32, #tpu.memory_space<hbm>>
        %dma_wait3A_44 = tpu.memref_squeeze %dma_wait3A_43 : memref<1x1x128xi32, #tpu.memory_space<hbm>> -> memref<128xi32, #tpu.memory_space<hbm>>
        tpu.wait_dma2 semaphore(%run_scoped3A : memref<!tpu.dma_semaphore, #tpu.memory_space<semaphore_mem>>) src(%dma_wait3A_44 : memref<128xi32, #tpu.memory_space<hbm>>) dst(%arg7 : memref<128xi32, #tpu.memory_space<vmem>>)
        tpu.yield
      }) : () -> ()
      "tpu.region"() ({
        %run_scoped3A = tpu.sem_alloc : memref<!tpu.dma_semaphore, #tpu.memory_space<semaphore_mem>>
        %dma_start3A_33 = arith.constant 0 : i32
        %dma_start3A_34 = tpu.memref_slice %arg4[%add3A, %add3A_28, %dma_start3A_33] : memref<32x94x128xi32, #tpu.memory_space<hbm>> -> memref<1x1x128xi32, #tpu.memory_space<hbm>>
        %dma_start3A_35 = tpu.memref_squeeze %dma_start3A_34 : memref<1x1x128xi32, #tpu.memory_space<hbm>> -> memref<128xi32, #tpu.memory_space<hbm>>
        %dma_start3A_36 = arith.constant 0 : i32
        %dma_start3A_37 = tpu.memref_slice %arg4[%add3A, %add3A_28, %dma_start3A_36] : memref<32x94x128xi32, #tpu.memory_space<hbm>> -> memref<1x1x128xi32, #tpu.memory_space<hbm>>
        %dma_start3A_38 = tpu.memref_squeeze %dma_start3A_37 : memref<1x1x128xi32, #tpu.memory_space<hbm>> -> memref<128xi32, #tpu.memory_space<hbm>>
        tpu.enqueue_dma source(%dma_start3A_38 : memref<128xi32, #tpu.memory_space<hbm>>) target(%arg8 : memref<128xi32, #tpu.memory_space<vmem>>) target_semaphore(%run_scoped3A : memref<!tpu.dma_semaphore, #tpu.memory_space<semaphore_mem>>)
        %dma_wait3A_39 = arith.constant 0 : i32
        %dma_wait3A_40 = tpu.memref_slice %arg4[%add3A, %add3A_28, %dma_wait3A_39] : memref<32x94x128xi32, #tpu.memory_space<hbm>> -> memref<1x1x128xi32, #tpu.memory_space<hbm>>
        %dma_wait3A_41 = tpu.memref_squeeze %dma_wait3A_40 : memref<1x1x128xi32, #tpu.memory_space<hbm>> -> memref<128xi32, #tpu.memory_space<hbm>>
        %dma_wait3A_42 = arith.constant 0 : i32
        %dma_wait3A_43 = tpu.memref_slice %arg4[%add3A, %add3A_28, %dma_wait3A_42] : memref<32x94x128xi32, #tpu.memory_space<hbm>> -> memref<1x1x128xi32, #tpu.memory_space<hbm>>
        %dma_wait3A_44 = tpu.memref_squeeze %dma_wait3A_43 : memref<1x1x128xi32, #tpu.memory_space<hbm>> -> memref<128xi32, #tpu.memory_space<hbm>>
        tpu.wait_dma2 semaphore(%run_scoped3A : memref<!tpu.dma_semaphore, #tpu.memory_space<semaphore_mem>>) src(%dma_wait3A_44 : memref<128xi32, #tpu.memory_space<hbm>>) dst(%arg8 : memref<128xi32, #tpu.memory_space<vmem>>)
        tpu.yield
      }) : () -> ()
      %dma_start3A = arith.constant 0 : i32
      %dma_start3A_29 = arith.constant 0 : i32
      %dma_start3A_30 = tpu.memref_slice %arg2[%dma_start3A, %dma_start3A_29] : memref<10000x128xf32, #tpu.memory_space<hbm>> -> memref<10000x128xf32, #tpu.memory_space<hbm>>
      tpu.enqueue_indirect_dma source(%dma_start3A_30 : memref<10000x128xf32, #tpu.memory_space<hbm>>) target(%arg9 : memref<128x128xf32, #tpu.memory_space<vmem>>) offsets(%arg7 : memref<128xi32, #tpu.memory_space<vmem>>) semaphore(%arg11 : memref<!tpu.dma_semaphore, #tpu.memory_space<semaphore_mem>>)
      %dma_wait3A = arith.constant 0 : i32
      %dma_wait3A_31 = arith.constant 0 : i32
      %dma_wait3A_32 = tpu.memref_slice %arg2[%dma_wait3A, %dma_wait3A_31] : memref<10000x128xf32, #tpu.memory_space<hbm>> -> memref<10000x128xf32, #tpu.memory_space<hbm>>
      tpu.wait_indirect_dma semaphore(%arg11 : memref<!tpu.dma_semaphore, #tpu.memory_space<semaphore_mem>>) src(%dma_wait3A_32 : memref<10000x128xf32, #tpu.memory_space<hbm>>) dst(%arg9 : memref<128x128xf32, #tpu.memory_space<vmem>>)
      "tpu.region"() ({
        %run_scoped3A = tpu.sem_alloc : memref<!tpu.dma_semaphore, #tpu.memory_space<semaphore_mem>>
        %dma_start3A_33 = arith.constant 0 : i32
        %dma_start3A_34 = arith.constant 0 : i32
        %dma_start3A_35 = tpu.memref_slice %arg10[%dma_start3A_33, %dma_start3A_34] : memref<10112x128xf32, #tpu.memory_space<vmem_shared>> -> memref<10112x128xf32, #tpu.memory_space<vmem_shared>>
        tpu.enqueue_indirect_dma source(%arg9 : memref<128x128xf32, #tpu.memory_space<vmem>>) target(%dma_start3A_35 : memref<10112x128xf32, #tpu.memory_space<vmem_shared>>) offsets(%arg8 : memref<128xi32, #tpu.memory_space<vmem>>) semaphore(%run_scoped3A : memref<!tpu.dma_semaphore, #tpu.memory_space<semaphore_mem>>) {add = true}
        %dma_wait3A_36 = arith.constant 0 : i32
        %dma_wait3A_37 = arith.constant 0 : i32
        %dma_wait3A_38 = tpu.memref_slice %arg10[%dma_wait3A_36, %dma_wait3A_37] : memref<10112x128xf32, #tpu.memory_space<vmem_shared>> -> memref<10112x128xf32, #tpu.memory_space<vmem_shared>>
        tpu.wait_indirect_dma semaphore(%run_scoped3A : memref<!tpu.dma_semaphore, #tpu.memory_space<semaphore_mem>>) src(%arg9 : memref<128x128xf32, #tpu.memory_space<vmem>>) dst(%dma_wait3A_38 : memref<10112x128xf32, #tpu.memory_space<vmem_shared>>)
        tpu.yield
      }) : () -> ()
    }
    %while3A_20 = arith.constant 1 : i32
    scf.for %while3A_26 = %while3A_18 to %while3A_14 step %while3A_20  : i32 {
      %mul3A_27 = arith.muli %while3A_26, %while3A : i32
      %add3A_28 = arith.addi %while3A_11, %mul3A_27 : i32
      "tpu.region"() ({
        %run_scoped3A = tpu.sem_alloc : memref<!tpu.dma_semaphore, #tpu.memory_space<semaphore_mem>>
        %dma_start3A_33 = arith.constant 0 : i32
        %dma_start3A_34 = tpu.memref_slice %arg3[%add3A, %add3A_28, %dma_start3A_33] : memref<32x94x128xi32, #tpu.memory_space<hbm>> -> memref<1x1x128xi32, #tpu.memory_space<hbm>>
        %dma_start3A_35 = tpu.memref_squeeze %dma_start3A_34 : memref<1x1x128xi32, #tpu.memory_space<hbm>> -> memref<128xi32, #tpu.memory_space<hbm>>
        %dma_start3A_36 = arith.constant 0 : i32
        %dma_start3A_37 = tpu.memref_slice %arg3[%add3A, %add3A_28, %dma_start3A_36] : memref<32x94x128xi32, #tpu.memory_space<hbm>> -> memref<1x1x128xi32, #tpu.memory_space<hbm>>
        %dma_start3A_38 = tpu.memref_squeeze %dma_start3A_37 : memref<1x1x128xi32, #tpu.memory_space<hbm>> -> memref<128xi32, #tpu.memory_space<hbm>>
        tpu.enqueue_dma source(%dma_start3A_38 : memref<128xi32, #tpu.memory_space<hbm>>) target(%arg7 : memref<128xi32, #tpu.memory_space<vmem>>) target_semaphore(%run_scoped3A : memref<!tpu.dma_semaphore, #tpu.memory_space<semaphore_mem>>)
        %dma_wait3A_39 = arith.constant 0 : i32
        %dma_wait3A_40 = tpu.memref_slice %arg3[%add3A, %add3A_28, %dma_wait3A_39] : memref<32x94x128xi32, #tpu.memory_space<hbm>> -> memref<1x1x128xi32, #tpu.memory_space<hbm>>
        %dma_wait3A_41 = tpu.memref_squeeze %dma_wait3A_40 : memref<1x1x128xi32, #tpu.memory_space<hbm>> -> memref<128xi32, #tpu.memory_space<hbm>>
        %dma_wait3A_42 = arith.constant 0 : i32
        %dma_wait3A_43 = tpu.memref_slice %arg3[%add3A, %add3A_28, %dma_wait3A_42] : memref<32x94x128xi32, #tpu.memory_space<hbm>> -> memref<1x1x128xi32, #tpu.memory_space<hbm>>
        %dma_wait3A_44 = tpu.memref_squeeze %dma_wait3A_43 : memref<1x1x128xi32, #tpu.memory_space<hbm>> -> memref<128xi32, #tpu.memory_space<hbm>>
        tpu.wait_dma2 semaphore(%run_scoped3A : memref<!tpu.dma_semaphore, #tpu.memory_space<semaphore_mem>>) src(%dma_wait3A_44 : memref<128xi32, #tpu.memory_space<hbm>>) dst(%arg7 : memref<128xi32, #tpu.memory_space<vmem>>)
        tpu.yield
      }) : () -> ()
      "tpu.region"() ({
        %run_scoped3A = tpu.sem_alloc : memref<!tpu.dma_semaphore, #tpu.memory_space<semaphore_mem>>
        %dma_start3A_33 = arith.constant 0 : i32
        %dma_start3A_34 = tpu.memref_slice %arg4[%add3A, %add3A_28, %dma_start3A_33] : memref<32x94x128xi32, #tpu.memory_space<hbm>> -> memref<1x1x128xi32, #tpu.memory_space<hbm>>
        %dma_start3A_35 = tpu.memref_squeeze %dma_start3A_34 : memref<1x1x128xi32, #tpu.memory_space<hbm>> -> memref<128xi32, #tpu.memory_space<hbm>>
        %dma_start3A_36 = arith.constant 0 : i32
        %dma_start3A_37 = tpu.memref_slice %arg4[%add3A, %add3A_28, %dma_start3A_36] : memref<32x94x128xi32, #tpu.memory_space<hbm>> -> memref<1x1x128xi32, #tpu.memory_space<hbm>>
        %dma_start3A_38 = tpu.memref_squeeze %dma_start3A_37 : memref<1x1x128xi32, #tpu.memory_space<hbm>> -> memref<128xi32, #tpu.memory_space<hbm>>
        tpu.enqueue_dma source(%dma_start3A_38 : memref<128xi32, #tpu.memory_space<hbm>>) target(%arg8 : memref<128xi32, #tpu.memory_space<vmem>>) target_semaphore(%run_scoped3A : memref<!tpu.dma_semaphore, #tpu.memory_space<semaphore_mem>>)
        %dma_wait3A_39 = arith.constant 0 : i32
        %dma_wait3A_40 = tpu.memref_slice %arg4[%add3A, %add3A_28, %dma_wait3A_39] : memref<32x94x128xi32, #tpu.memory_space<hbm>> -> memref<1x1x128xi32, #tpu.memory_space<hbm>>
        %dma_wait3A_41 = tpu.memref_squeeze %dma_wait3A_40 : memref<1x1x128xi32, #tpu.memory_space<hbm>> -> memref<128xi32, #tpu.memory_space<hbm>>
        %dma_wait3A_42 = arith.constant 0 : i32
        %dma_wait3A_43 = tpu.memref_slice %arg4[%add3A, %add3A_28, %dma_wait3A_42] : memref<32x94x128xi32, #tpu.memory_space<hbm>> -> memref<1x1x128xi32, #tpu.memory_space<hbm>>
        %dma_wait3A_44 = tpu.memref_squeeze %dma_wait3A_43 : memref<1x1x128xi32, #tpu.memory_space<hbm>> -> memref<128xi32, #tpu.memory_space<hbm>>
        tpu.wait_dma2 semaphore(%run_scoped3A : memref<!tpu.dma_semaphore, #tpu.memory_space<semaphore_mem>>) src(%dma_wait3A_44 : memref<128xi32, #tpu.memory_space<hbm>>) dst(%arg8 : memref<128xi32, #tpu.memory_space<vmem>>)
        tpu.yield
      }) : () -> ()
      %dma_start3A = arith.constant 0 : i32
      %dma_start3A_29 = arith.constant 0 : i32
      %dma_start3A_30 = tpu.memref_slice %arg2[%dma_start3A, %dma_start3A_29] : memref<10000x128xf32, #tpu.memory_space<hbm>> -> memref<10000x128xf32, #tpu.memory_space<hbm>>
      tpu.enqueue_indirect_dma source(%dma_start3A_30 : memref<10000x128xf32, #tpu.memory_space<hbm>>) target(%arg9 : memref<128x128xf32, #tpu.memory_space<vmem>>) offsets(%arg7 : memref<128xi32, #tpu.memory_space<vmem>>) semaphore(%arg11 : memref<!tpu.dma_semaphore, #tpu.memory_space<semaphore_mem>>)
      %dma_wait3A = arith.constant 0 : i32
      %dma_wait3A_31 = arith.constant 0 : i32
      %dma_wait3A_32 = tpu.memref_slice %arg2[%dma_wait3A, %dma_wait3A_31] : memref<10000x128xf32, #tpu.memory_space<hbm>> -> memref<10000x128xf32, #tpu.memory_space<hbm>>
      tpu.wait_indirect_dma semaphore(%arg11 : memref<!tpu.dma_semaphore, #tpu.memory_space<semaphore_mem>>) src(%dma_wait3A_32 : memref<10000x128xf32, #tpu.memory_space<hbm>>) dst(%arg9 : memref<128x128xf32, #tpu.memory_space<vmem>>)
      "tpu.region"() ({
        %run_scoped3A = tpu.sem_alloc : memref<!tpu.dma_semaphore, #tpu.memory_space<semaphore_mem>>
        %dma_start3A_33 = arith.constant 0 : i32
        %dma_start3A_34 = arith.constant 0 : i32
        %dma_start3A_35 = tpu.memref_slice %arg10[%dma_start3A_33, %dma_start3A_34] : memref<10112x128xf32, #tpu.memory_space<vmem_shared>> -> memref<10112x128xf32, #tpu.memory_space<vmem_shared>>
        tpu.enqueue_indirect_dma source(%arg9 : memref<128x128xf32, #tpu.memory_space<vmem>>) target(%dma_start3A_35 : memref<10112x128xf32, #tpu.memory_space<vmem_shared>>) offsets(%arg8 : memref<128xi32, #tpu.memory_space<vmem>>) semaphore(%run_scoped3A : memref<!tpu.dma_semaphore, #tpu.memory_space<semaphore_mem>>) {add = true}
        %dma_wait3A_36 = arith.constant 0 : i32
        %dma_wait3A_37 = arith.constant 0 : i32
        %dma_wait3A_38 = tpu.memref_slice %arg10[%dma_wait3A_36, %dma_wait3A_37] : memref<10112x128xf32, #tpu.memory_space<vmem_shared>> -> memref<10112x128xf32, #tpu.memory_space<vmem_shared>>
        tpu.wait_indirect_dma semaphore(%run_scoped3A : memref<!tpu.dma_semaphore, #tpu.memory_space<semaphore_mem>>) src(%arg9 : memref<128x128xf32, #tpu.memory_space<vmem>>) dst(%dma_wait3A_38 : memref<10112x128xf32, #tpu.memory_space<vmem_shared>>)
        tpu.yield
      }) : () -> ()
    }
    %barrier3A_21 = arith.constant 0 : index
    tpu.barrier barrier_id(%barrier3A_21)
    %mul3A_22 = arith.constant 632 : i32
    %mul3A_23 = arith.muli %arg1, %mul3A_22 : i32
    %mul3A_24 = arith.constant 632 : i32
    %mul3A_25 = arith.muli %arg1, %mul3A_24 : i32
    "tpu.region"() ({
      %run_scoped3A = tpu.sem_alloc : memref<!tpu.dma_semaphore, #tpu.memory_space<semaphore_mem>>
      %dma_start3A = arith.constant 0 : i32
      %dma_start3A_26 = tpu.memref_slice %arg6[%arg0, %mul3A_25, %dma_start3A] : memref<2x10112x128xf32, #tpu.memory_space<hbm>> -> memref<1x632x128xf32, #tpu.memory_space<hbm>>
      %dma_start3A_27 = tpu.memref_squeeze %dma_start3A_26 : memref<1x632x128xf32, #tpu.memory_space<hbm>> -> memref<632x128xf32, #tpu.memory_space<hbm>>
      %dma_start3A_28 = arith.constant 0 : i32
      %dma_start3A_29 = tpu.memref_slice %arg10[%mul3A_23, %dma_start3A_28] : memref<10112x128xf32, #tpu.memory_space<vmem_shared>> -> memref<632x128xf32, #tpu.memory_space<vmem_shared>>
      tpu.enqueue_dma source(%dma_start3A_29 : memref<632x128xf32, #tpu.memory_space<vmem_shared>>) target(%dma_start3A_27 : memref<632x128xf32, #tpu.memory_space<hbm>>) target_semaphore(%run_scoped3A : memref<!tpu.dma_semaphore, #tpu.memory_space<semaphore_mem>>)
      %dma_wait3A = arith.constant 0 : i32
      %dma_wait3A_30 = tpu.memref_slice %arg6[%arg0, %mul3A_25, %dma_wait3A] : memref<2x10112x128xf32, #tpu.memory_space<hbm>> -> memref<1x632x128xf32, #tpu.memory_space<hbm>>
      %dma_wait3A_31 = tpu.memref_squeeze %dma_wait3A_30 : memref<1x632x128xf32, #tpu.memory_space<hbm>> -> memref<632x128xf32, #tpu.memory_space<hbm>>
      %dma_wait3A_32 = arith.constant 0 : i32
      %dma_wait3A_33 = tpu.memref_slice %arg10[%mul3A_23, %dma_wait3A_32] : memref<10112x128xf32, #tpu.memory_space<vmem_shared>> -> memref<632x128xf32, #tpu.memory_space<vmem_shared>>
      tpu.wait_dma2 semaphore(%run_scoped3A : memref<!tpu.dma_semaphore, #tpu.memory_space<semaphore_mem>>) src(%dma_wait3A_33 : memref<632x128xf32, #tpu.memory_space<vmem_shared>>) dst(%dma_wait3A_31 : memref<632x128xf32, #tpu.memory_space<hbm>>)
      tpu.yield
    }) : () -> ()
    return
  }
}

#map = affine_map<(d0, d1) -> (0, 0)>
#map1 = affine_map<(d0, d1) -> (0, 0, 0)>
module attributes {stable_mosaic.version = 14 : i64} {
  func.func @k(%arg0: i32, %arg1: i32, %arg2: memref<10000x128xf32, #tpu.memory_space<hbm>>, %arg3: memref<32x94x128xi32, #tpu.memory_space<hbm>>, %arg4: memref<32x94x128xi32, #tpu.memory_space<hbm>>, %arg5: memref<632x128xf32, #tpu.memory_space<hbm>>, %arg6: memref<2x10112x128xf32, #tpu.memory_space<hbm>>, %arg7: memref<128xi32, #tpu.memory_space<vmem>>, %arg8: memref<128xi32, #tpu.memory_space<vmem>>, %arg9: memref<128x128xf32, #tpu.memory_space<vmem>>, %arg10: memref<10112x128xf32, #tpu.memory_space<vmem_shared>>, %arg11: memref<!tpu.dma_semaphore, #tpu.memory_space<semaphore_mem>>) attributes {dimension_semantics = [#tpu.dimension_semantics<core_parallel>, #tpu.dimension_semantics<subcore_parallel>], iteration_bounds = array<i64: 2, 16>, scalar_prefetch = 0 : i64, scratch_operands = 5 : i64, tpu.core_type = #tpu.core_type<sc_vector_subcore>, window_params = [{transform_indices = #map}, {transform_indices = #map1}, {transform_indices = #map1}, {transform_indices = #map}, {transform_indices = #map1}]} {
    %mul3A = arith.constant 16 : i32
    %mul3A_0 = arith.muli %arg0, %mul3A : i32
    %add3A = arith.addi %mul3A_0, %arg1 : i32
    %eq3A = arith.constant 0 : i32
    %eq3A_1 = arith.cmpi eq, %arg0, %eq3A : i32
    %jit3A = arith.constant 94 : i32
    %jit3A_2 = arith.constant 64 : i32
    %select_n3A = arith.select %eq3A_1, %jit3A, %jit3A_2 : i32
    %mul3A_3 = arith.constant 632 : i32
    %mul3A_4 = arith.muli %arg1, %mul3A_3 : i32
    "tpu.region"() ({
      %run_scoped3A = tpu.sem_alloc : memref<!tpu.dma_semaphore, #tpu.memory_space<semaphore_mem>>
      %dma_start3A = arith.constant 0 : i32
      %dma_start3A_26 = tpu.memref_slice %arg10[%mul3A_4, %dma_start3A] : memref<10112x128xf32, #tpu.memory_space<vmem_shared>> -> memref<632x128xf32, #tpu.memory_space<vmem_shared>>
      tpu.enqueue_dma source(%arg5 : memref<632x128xf32, #tpu.memory_space<hbm>>) target(%dma_start3A_26 : memref<632x128xf32, #tpu.memory_space<vmem_shared>>) target_semaphore(%run_scoped3A : memref<!tpu.dma_semaphore, #tpu.memory_space<semaphore_mem>>)
      %dma_wait3A = arith.constant 0 : i32
      %dma_wait3A_27 = tpu.memref_slice %arg10[%mul3A_4, %dma_wait3A] : memref<10112x128xf32, #tpu.memory_space<vmem_shared>> -> memref<632x128xf32, #tpu.memory_space<vmem_shared>>
      tpu.wait_dma2 semaphore(%run_scoped3A : memref<!tpu.dma_semaphore, #tpu.memory_space<semaphore_mem>>) src(%arg5 : memref<632x128xf32, #tpu.memory_space<hbm>>) dst(%dma_wait3A_27 : memref<632x128xf32, #tpu.memory_space<vmem_shared>>)
      tpu.yield
    }) : () -> ()
    %barrier3A = arith.constant 0 : index
    tpu.barrier barrier_id(%barrier3A)
    %sub3A = arith.constant 0 : i32
    %sub3A_5 = arith.subi %select_n3A, %sub3A : i32
    %sub3A_6 = arith.constant 1 : i32
    %sub3A_7 = arith.constant 1 : i32
    %sub3A_8 = arith.subi %sub3A_6, %sub3A_7 : i32
    %add3A_9 = arith.addi %sub3A_5, %sub3A_8 : i32
    %div3A = arith.constant 1 : i32
    %div3A_10 = arith.divsi %add3A_9, %div3A : i32
    %while3A = arith.constant 1 : i32
    %while3A_11 = arith.constant 0 : i32
    %while3A_12 = arith.constant 0 : i32
    %while3A_13 = arith.subi %div3A_10, %while3A_12 : i32
    %while3A_14 = arith.addi %while3A_12, %while3A_13 : i32
    %while3A_15 = arith.constant 1 : i32
    %while3A_16 = arith.divsi %while3A_13, %while3A_15 : i32
    %while3A_17 = arith.muli %while3A_16, %while3A_15 : i32
    %while3A_18 = arith.addi %while3A_12, %while3A_17 : i32
    %while3A_19 = arith.constant 1 : i32
    scf.for %while3A_26 = %while3A_12 to %while3A_18 step %while3A_19  : i32 {
      %mul3A_27 = arith.muli %while3A_26, %while3A : i32
      %add3A_28 = arith.addi %while3A_11, %mul3A_27 : i32
      "tpu.region"() ({
        %run_scoped3A = tpu.sem_alloc : memref<!tpu.dma_semaphore, #tpu.memory_space<semaphore_mem>>
        %dma_start3A_33 = arith.constant 0 : i32
        %dma_start3A_34 = tpu.memref_slice %arg3[%add3A, %add3A_28, %dma_start3A_33] : memref<32x94x128xi32, #tpu.memory_space<hbm>> -> memref<1x1x128xi32, #tpu.memory_space<hbm>>
        %dma_start3A_35 = tpu.memref_squeeze %dma_start3A_34 : memref<1x1x128xi32, #tpu.memory_space<hbm>> -> memref<128xi32, #tpu.memory_space<hbm>>
        %dma_start3A_36 = arith.constant 0 : i32
        %dma_start3A_37 = tpu.memref_slice %arg3[%add3A, %add3A_28, %dma_start3A_36] : memref<32x94x128xi32, #tpu.memory_space<hbm>> -> memref<1x1x128xi32, #tpu.memory_space<hbm>>
        %dma_start3A_38 = tpu.memref_squeeze %dma_start3A_37 : memref<1x1x128xi32, #tpu.memory_space<hbm>> -> memref<128xi32, #tpu.memory_space<hbm>>
        tpu.enqueue_dma source(%dma_start3A_38 : memref<128xi32, #tpu.memory_space<hbm>>) target(%arg7 : memref<128xi32, #tpu.memory_space<vmem>>) target_semaphore(%run_scoped3A : memref<!tpu.dma_semaphore, #tpu.memory_space<semaphore_mem>>)
        %dma_wait3A_39 = arith.constant 0 : i32
        %dma_wait3A_40 = tpu.memref_slice %arg3[%add3A, %add3A_28, %dma_wait3A_39] : memref<32x94x128xi32, #tpu.memory_space<hbm>> -> memref<1x1x128xi32, #tpu.memory_space<hbm>>
        %dma_wait3A_41 = tpu.memref_squeeze %dma_wait3A_40 : memref<1x1x128xi32, #tpu.memory_space<hbm>> -> memref<128xi32, #tpu.memory_space<hbm>>
        %dma_wait3A_42 = arith.constant 0 : i32
        %dma_wait3A_43 = tpu.memref_slice %arg3[%add3A, %add3A_28, %dma_wait3A_42] : memref<32x94x128xi32, #tpu.memory_space<hbm>> -> memref<1x1x128xi32, #tpu.memory_space<hbm>>
        %dma_wait3A_44 = tpu.memref_squeeze %dma_wait3A_43 : memref<1x1x128xi32, #tpu.memory_space<hbm>> -> memref<128xi32, #tpu.memory_space<hbm>>
        tpu.wait_dma2 semaphore(%run_scoped3A : memref<!tpu.dma_semaphore, #tpu.memory_space<semaphore_mem>>) src(%dma_wait3A_44 : memref<128xi32, #tpu.memory_space<hbm>>) dst(%arg7 : memref<128xi32, #tpu.memory_space<vmem>>)
        tpu.yield
      }) : () -> ()
      "tpu.region"() ({
        %run_scoped3A = tpu.sem_alloc : memref<!tpu.dma_semaphore, #tpu.memory_space<semaphore_mem>>
        %dma_start3A_33 = arith.constant 0 : i32
        %dma_start3A_34 = tpu.memref_slice %arg4[%add3A, %add3A_28, %dma_start3A_33] : memref<32x94x128xi32, #tpu.memory_space<hbm>> -> memref<1x1x128xi32, #tpu.memory_space<hbm>>
        %dma_start3A_35 = tpu.memref_squeeze %dma_start3A_34 : memref<1x1x128xi32, #tpu.memory_space<hbm>> -> memref<128xi32, #tpu.memory_space<hbm>>
        %dma_start3A_36 = arith.constant 0 : i32
        %dma_start3A_37 = tpu.memref_slice %arg4[%add3A, %add3A_28, %dma_start3A_36] : memref<32x94x128xi32, #tpu.memory_space<hbm>> -> memref<1x1x128xi32, #tpu.memory_space<hbm>>
        %dma_start3A_38 = tpu.memref_squeeze %dma_start3A_37 : memref<1x1x128xi32, #tpu.memory_space<hbm>> -> memref<128xi32, #tpu.memory_space<hbm>>
        tpu.enqueue_dma source(%dma_start3A_38 : memref<128xi32, #tpu.memory_space<hbm>>) target(%arg8 : memref<128xi32, #tpu.memory_space<vmem>>) target_semaphore(%run_scoped3A : memref<!tpu.dma_semaphore, #tpu.memory_space<semaphore_mem>>)
        %dma_wait3A_39 = arith.constant 0 : i32
        %dma_wait3A_40 = tpu.memref_slice %arg4[%add3A, %add3A_28, %dma_wait3A_39] : memref<32x94x128xi32, #tpu.memory_space<hbm>> -> memref<1x1x128xi32, #tpu.memory_space<hbm>>
        %dma_wait3A_41 = tpu.memref_squeeze %dma_wait3A_40 : memref<1x1x128xi32, #tpu.memory_space<hbm>> -> memref<128xi32, #tpu.memory_space<hbm>>
        %dma_wait3A_42 = arith.constant 0 : i32
        %dma_wait3A_43 = tpu.memref_slice %arg4[%add3A, %add3A_28, %dma_wait3A_42] : memref<32x94x128xi32, #tpu.memory_space<hbm>> -> memref<1x1x128xi32, #tpu.memory_space<hbm>>
        %dma_wait3A_44 = tpu.memref_squeeze %dma_wait3A_43 : memref<1x1x128xi32, #tpu.memory_space<hbm>> -> memref<128xi32, #tpu.memory_space<hbm>>
        tpu.wait_dma2 semaphore(%run_scoped3A : memref<!tpu.dma_semaphore, #tpu.memory_space<semaphore_mem>>) src(%dma_wait3A_44 : memref<128xi32, #tpu.memory_space<hbm>>) dst(%arg8 : memref<128xi32, #tpu.memory_space<vmem>>)
        tpu.yield
      }) : () -> ()
      %dma_start3A = arith.constant 0 : i32
      %dma_start3A_29 = arith.constant 0 : i32
      %dma_start3A_30 = tpu.memref_slice %arg2[%dma_start3A, %dma_start3A_29] : memref<10000x128xf32, #tpu.memory_space<hbm>> -> memref<10000x128xf32, #tpu.memory_space<hbm>>
      tpu.enqueue_indirect_dma source(%dma_start3A_30 : memref<10000x128xf32, #tpu.memory_space<hbm>>) target(%arg9 : memref<128x128xf32, #tpu.memory_space<vmem>>) offsets(%arg7 : memref<128xi32, #tpu.memory_space<vmem>>) semaphore(%arg11 : memref<!tpu.dma_semaphore, #tpu.memory_space<semaphore_mem>>)
      %dma_wait3A = arith.constant 0 : i32
      %dma_wait3A_31 = arith.constant 0 : i32
      %dma_wait3A_32 = tpu.memref_slice %arg2[%dma_wait3A, %dma_wait3A_31] : memref<10000x128xf32, #tpu.memory_space<hbm>> -> memref<10000x128xf32, #tpu.memory_space<hbm>>
      tpu.wait_indirect_dma semaphore(%arg11 : memref<!tpu.dma_semaphore, #tpu.memory_space<semaphore_mem>>) src(%dma_wait3A_32 : memref<10000x128xf32, #tpu.memory_space<hbm>>) dst(%arg9 : memref<128x128xf32, #tpu.memory_space<vmem>>)
      "tpu.region"() ({
        %run_scoped3A = tpu.sem_alloc : memref<!tpu.dma_semaphore, #tpu.memory_space<semaphore_mem>>
        %dma_start3A_33 = arith.constant 0 : i32
        %dma_start3A_34 = arith.constant 0 : i32
        %dma_start3A_35 = tpu.memref_slice %arg10[%dma_start3A_33, %dma_start3A_34] : memref<10112x128xf32, #tpu.memory_space<vmem_shared>> -> memref<10112x128xf32, #tpu.memory_space<vmem_shared>>
        tpu.enqueue_indirect_dma source(%arg9 : memref<128x128xf32, #tpu.memory_space<vmem>>) target(%dma_start3A_35 : memref<10112x128xf32, #tpu.memory_space<vmem_shared>>) offsets(%arg8 : memref<128xi32, #tpu.memory_space<vmem>>) semaphore(%run_scoped3A : memref<!tpu.dma_semaphore, #tpu.memory_space<semaphore_mem>>) {add = true}
        %dma_wait3A_36 = arith.constant 0 : i32
        %dma_wait3A_37 = arith.constant 0 : i32
        %dma_wait3A_38 = tpu.memref_slice %arg10[%dma_wait3A_36, %dma_wait3A_37] : memref<10112x128xf32, #tpu.memory_space<vmem_shared>> -> memref<10112x128xf32, #tpu.memory_space<vmem_shared>>
        tpu.wait_indirect_dma semaphore(%run_scoped3A : memref<!tpu.dma_semaphore, #tpu.memory_space<semaphore_mem>>) src(%arg9 : memref<128x128xf32, #tpu.memory_space<vmem>>) dst(%dma_wait3A_38 : memref<10112x128xf32, #tpu.memory_space<vmem_shared>>)
        tpu.yield
      }) : () -> ()
    }
    %while3A_20 = arith.constant 1 : i32
    scf.for %while3A_26 = %while3A_18 to %while3A_14 step %while3A_20  : i32 {
      %mul3A_27 = arith.muli %while3A_26, %while3A : i32
      %add3A_28 = arith.addi %while3A_11, %mul3A_27 : i32
      "tpu.region"() ({
        %run_scoped3A = tpu.sem_alloc : memref<!tpu.dma_semaphore, #tpu.memory_space<semaphore_mem>>
        %dma_start3A_33 = arith.constant 0 : i32
        %dma_start3A_34 = tpu.memref_slice %arg3[%add3A, %add3A_28, %dma_start3A_33] : memref<32x94x128xi32, #tpu.memory_space<hbm>> -> memref<1x1x128xi32, #tpu.memory_space<hbm>>
        %dma_start3A_35 = tpu.memref_squeeze %dma_start3A_34 : memref<1x1x128xi32, #tpu.memory_space<hbm>> -> memref<128xi32, #tpu.memory_space<hbm>>
        %dma_start3A_36 = arith.constant 0 : i32
        %dma_start3A_37 = tpu.memref_slice %arg3[%add3A, %add3A_28, %dma_start3A_36] : memref<32x94x128xi32, #tpu.memory_space<hbm>> -> memref<1x1x128xi32, #tpu.memory_space<hbm>>
        %dma_start3A_38 = tpu.memref_squeeze %dma_start3A_37 : memref<1x1x128xi32, #tpu.memory_space<hbm>> -> memref<128xi32, #tpu.memory_space<hbm>>
        tpu.enqueue_dma source(%dma_start3A_38 : memref<128xi32, #tpu.memory_space<hbm>>) target(%arg7 : memref<128xi32, #tpu.memory_space<vmem>>) target_semaphore(%run_scoped3A : memref<!tpu.dma_semaphore, #tpu.memory_space<semaphore_mem>>)
        %dma_wait3A_39 = arith.constant 0 : i32
        %dma_wait3A_40 = tpu.memref_slice %arg3[%add3A, %add3A_28, %dma_wait3A_39] : memref<32x94x128xi32, #tpu.memory_space<hbm>> -> memref<1x1x128xi32, #tpu.memory_space<hbm>>
        %dma_wait3A_41 = tpu.memref_squeeze %dma_wait3A_40 : memref<1x1x128xi32, #tpu.memory_space<hbm>> -> memref<128xi32, #tpu.memory_space<hbm>>
        %dma_wait3A_42 = arith.constant 0 : i32
        %dma_wait3A_43 = tpu.memref_slice %arg3[%add3A, %add3A_28, %dma_wait3A_42] : memref<32x94x128xi32, #tpu.memory_space<hbm>> -> memref<1x1x128xi32, #tpu.memory_space<hbm>>
        %dma_wait3A_44 = tpu.memref_squeeze %dma_wait3A_43 : memref<1x1x128xi32, #tpu.memory_space<hbm>> -> memref<128xi32, #tpu.memory_space<hbm>>
        tpu.wait_dma2 semaphore(%run_scoped3A : memref<!tpu.dma_semaphore, #tpu.memory_space<semaphore_mem>>) src(%dma_wait3A_44 : memref<128xi32, #tpu.memory_space<hbm>>) dst(%arg7 : memref<128xi32, #tpu.memory_space<vmem>>)
        tpu.yield
      }) : () -> ()
      "tpu.region"() ({
        %run_scoped3A = tpu.sem_alloc : memref<!tpu.dma_semaphore, #tpu.memory_space<semaphore_mem>>
        %dma_start3A_33 = arith.constant 0 : i32
        %dma_start3A_34 = tpu.memref_slice %arg4[%add3A, %add3A_28, %dma_start3A_33] : memref<32x94x128xi32, #tpu.memory_space<hbm>> -> memref<1x1x128xi32, #tpu.memory_space<hbm>>
        %dma_start3A_35 = tpu.memref_squeeze %dma_start3A_34 : memref<1x1x128xi32, #tpu.memory_space<hbm>> -> memref<128xi32, #tpu.memory_space<hbm>>
        %dma_start3A_36 = arith.constant 0 : i32
        %dma_start3A_37 = tpu.memref_slice %arg4[%add3A, %add3A_28, %dma_start3A_36] : memref<32x94x128xi32, #tpu.memory_space<hbm>> -> memref<1x1x128xi32, #tpu.memory_space<hbm>>
        %dma_start3A_38 = tpu.memref_squeeze %dma_start3A_37 : memref<1x1x128xi32, #tpu.memory_space<hbm>> -> memref<128xi32, #tpu.memory_space<hbm>>
        tpu.enqueue_dma source(%dma_start3A_38 : memref<128xi32, #tpu.memory_space<hbm>>) target(%arg8 : memref<128xi32, #tpu.memory_space<vmem>>) target_semaphore(%run_scoped3A : memref<!tpu.dma_semaphore, #tpu.memory_space<semaphore_mem>>)
        %dma_wait3A_39 = arith.constant 0 : i32
        %dma_wait3A_40 = tpu.memref_slice %arg4[%add3A, %add3A_28, %dma_wait3A_39] : memref<32x94x128xi32, #tpu.memory_space<hbm>> -> memref<1x1x128xi32, #tpu.memory_space<hbm>>
        %dma_wait3A_41 = tpu.memref_squeeze %dma_wait3A_40 : memref<1x1x128xi32, #tpu.memory_space<hbm>> -> memref<128xi32, #tpu.memory_space<hbm>>
        %dma_wait3A_42 = arith.constant 0 : i32
        %dma_wait3A_43 = tpu.memref_slice %arg4[%add3A, %add3A_28, %dma_wait3A_42] : memref<32x94x128xi32, #tpu.memory_space<hbm>> -> memref<1x1x128xi32, #tpu.memory_space<hbm>>
        %dma_wait3A_44 = tpu.memref_squeeze %dma_wait3A_43 : memref<1x1x128xi32, #tpu.memory_space<hbm>> -> memref<128xi32, #tpu.memory_space<hbm>>
        tpu.wait_dma2 semaphore(%run_scoped3A : memref<!tpu.dma_semaphore, #tpu.memory_space<semaphore_mem>>) src(%dma_wait3A_44 : memref<128xi32, #tpu.memory_space<hbm>>) dst(%arg8 : memref<128xi32, #tpu.memory_space<vmem>>)
        tpu.yield
      }) : () -> ()
      %dma_start3A = arith.constant 0 : i32
      %dma_start3A_29 = arith.constant 0 : i32
      %dma_start3A_30 = tpu.memref_slice %arg2[%dma_start3A, %dma_start3A_29] : memref<10000x128xf32, #tpu.memory_space<hbm>> -> memref<10000x128xf32, #tpu.memory_space<hbm>>
      tpu.enqueue_indirect_dma source(%dma_start3A_30 : memref<10000x128xf32, #tpu.memory_space<hbm>>) target(%arg9 : memref<128x128xf32, #tpu.memory_space<vmem>>) offsets(%arg7 : memref<128xi32, #tpu.memory_space<vmem>>) semaphore(%arg11 : memref<!tpu.dma_semaphore, #tpu.memory_space<semaphore_mem>>)
      %dma_wait3A = arith.constant 0 : i32
      %dma_wait3A_31 = arith.constant 0 : i32
      %dma_wait3A_32 = tpu.memref_slice %arg2[%dma_wait3A, %dma_wait3A_31] : memref<10000x128xf32, #tpu.memory_space<hbm>> -> memref<10000x128xf32, #tpu.memory_space<hbm>>
      tpu.wait_indirect_dma semaphore(%arg11 : memref<!tpu.dma_semaphore, #tpu.memory_space<semaphore_mem>>) src(%dma_wait3A_32 : memref<10000x128xf32, #tpu.memory_space<hbm>>) dst(%arg9 : memref<128x128xf32, #tpu.memory_space<vmem>>)
      "tpu.region"() ({
        %run_scoped3A = tpu.sem_alloc : memref<!tpu.dma_semaphore, #tpu.memory_space<semaphore_mem>>
        %dma_start3A_33 = arith.constant 0 : i32
        %dma_start3A_34 = arith.constant 0 : i32
        %dma_start3A_35 = tpu.memref_slice %arg10[%dma_start3A_33, %dma_start3A_34] : memref<10112x128xf32, #tpu.memory_space<vmem_shared>> -> memref<10112x128xf32, #tpu.memory_space<vmem_shared>>
        tpu.enqueue_indirect_dma source(%arg9 : memref<128x128xf32, #tpu.memory_space<vmem>>) target(%dma_start3A_35 : memref<10112x128xf32, #tpu.memory_space<vmem_shared>>) offsets(%arg8 : memref<128xi32, #tpu.memory_space<vmem>>) semaphore(%run_scoped3A : memref<!tpu.dma_semaphore, #tpu.memory_space<semaphore_mem>>) {add = true}
        %dma_wait3A_36 = arith.constant 0 : i32
        %dma_wait3A_37 = arith.constant 0 : i32
        %dma_wait3A_38 = tpu.memref_slice %arg10[%dma_wait3A_36, %dma_wait3A_37] : memref<10112x128xf32, #tpu.memory_space<vmem_shared>> -> memref<10112x128xf32, #tpu.memory_space<vmem_shared>>
        tpu.wait_indirect_dma semaphore(%run_scoped3A : memref<!tpu.dma_semaphore, #tpu.memory_space<semaphore_mem>>) src(%arg9 : memref<128x128xf32, #tpu.memory_space<vmem>>) dst(%dma_wait3A_38 : memref<10112x128xf32, #tpu.memory_space<vmem_shared>>)
        tpu.yield
      }) : () -> ()
    }
    %barrier3A_21 = arith.constant 0 : index
    tpu.barrier barrier_id(%barrier3A_21)
    %mul3A_22 = arith.constant 632 : i32
    %mul3A_23 = arith.muli %arg1, %mul3A_22 : i32
    %mul3A_24 = arith.constant 632 : i32
    %mul3A_25 = arith.muli %arg1, %mul3A_24 : i32
    "tpu.region"() ({
      %run_scoped3A = tpu.sem_alloc : memref<!tpu.dma_semaphore, #tpu.memory_space<semaphore_mem>>
      %dma_start3A = arith.constant 0 : i32
      %dma_start3A_26 = tpu.memref_slice %arg6[%arg0, %mul3A_25, %dma_start3A] : memref<2x10112x128xf32, #tpu.memory_space<hbm>> -> memref<1x632x128xf32, #tpu.memory_space<hbm>>
      %dma_start3A_27 = tpu.memref_squeeze %dma_start3A_26 : memref<1x632x128xf32, #tpu.memory_space<hbm>> -> memref<632x128xf32, #tpu.memory_space<hbm>>
      %dma_start3A_28 = arith.constant 0 : i32
      %dma_start3A_29 = tpu.memref_slice %arg10[%mul3A_23, %dma_start3A_28] : memref<10112x128xf32, #tpu.memory_space<vmem_shared>> -> memref<632x128xf32, #tpu.memory_space<vmem_shared>>
      tpu.enqueue_dma source(%dma_start3A_29 : memref<632x128xf32, #tpu.memory_space<vmem_shared>>) target(%dma_start3A_27 : memref<632x128xf32, #tpu.memory_space<hbm>>) target_semaphore(%run_scoped3A : memref<!tpu.dma_semaphore, #tpu.memory_space<semaphore_mem>>)
      %dma_wait3A = arith.constant 0 : i32
      %dma_wait3A_30 = tpu.memref_slice %arg6[%arg0, %mul3A_25, %dma_wait3A] : memref<2x10112x128xf32, #tpu.memory_space<hbm>> -> memref<1x632x128xf32, #tpu.memory_space<hbm>>
      %dma_wait3A_31 = tpu.memref_squeeze %dma_wait3A_30 : memref<1x632x128xf32, #tpu.memory_space<hbm>> -> memref<632x128xf32, #tpu.memory_space<hbm>>
      %dma_wait3A_32 = arith.constant 0 : i32
      %dma_wait3A_33 = tpu.memref_slice %arg10[%mul3A_23, %dma_wait3A_32] : memref<10112x128xf32, #tpu.memory_space<vmem_shared>> -> memref<632x128xf32, #tpu.memory_space<vmem_shared>>
      tpu.wait_dma2 semaphore(%run_scoped3A : memref<!tpu.dma_semaphore, #tpu.memory_space<semaphore_mem>>) src(%dma_wait3A_33 : memref<632x128xf32, #tpu.memory_space<vmem_shared>>) dst(%dma_wait3A_31 : memref<632x128xf32, #tpu.memory_space<hbm>>)
      tpu.yield
    }) : () -> ()
    return
  }
}

#map = affine_map<(d0, d1) -> (0, 0)>
module attributes {stable_mosaic.version = 14 : i64} {
  func.func @k(%arg0: i32, %arg1: i32, %arg2: memref<32x10112xi32, #tpu.memory_space<hbm>>, %arg3: memref<2x10240xf32, #tpu.memory_space<hbm>>, %arg4: memref<10112xi32, #tpu.memory_space<vmem>>, %arg5: memref<10240xf32, #tpu.memory_space<vmem>>, %arg6: memref<16x640xf32, #tpu.memory_space<vmem>>, %arg7: memref<640xf32, #tpu.memory_space<vmem>>, %arg8: memref<16x10240xf32, #tpu.memory_space<vmem_shared>>) attributes {dimension_semantics = [#tpu.dimension_semantics<core_parallel>, #tpu.dimension_semantics<subcore_parallel>], iteration_bounds = array<i64: 2, 16>, scalar_prefetch = 0 : i64, scratch_operands = 5 : i64, tpu.core_type = #tpu.core_type<sc_vector_subcore>, window_params = [{transform_indices = #map}, {transform_indices = #map}]} {
    %mul3A = arith.constant 16 : i32
    %mul3A_0 = arith.muli %arg0, %mul3A : i32
    %add3A = arith.addi %mul3A_0, %arg1 : i32
    %scan3A = arith.constant 0 : i32
    %scan3A_1 = arith.constant 640 : i32
    %scan3A_2 = arith.addi %scan3A, %scan3A_1 : i32
    %scan3A_3 = arith.constant 1 : i32
    scf.for %scan3A_19 = %scan3A to %scan3A_2 step %scan3A_3  : i32 {
      %mul3A_20 = arith.constant 1 : i32
      %mul3A_21 = arith.muli %scan3A_19, %mul3A_20 : i32
      %add3A_22 = arith.constant 0 : i32
      %add3A_23 = arith.addi %add3A_22, %mul3A_21 : i32
      %broadcast_in_dim3A = arith.constant 0.000000e+00 : f32
      %broadcast_in_dim3A_24 = vector.broadcast %broadcast_in_dim3A : f32 to vector<16xf32>
      %mul3A_25 = arith.constant 16 : i32
      %mul3A_26 = arith.muli %add3A_23, %mul3A_25 : i32
      %multiple_of3A = tpu.assume_multiple %mul3A_26, 16 : i32
      %swap3A = arith.index_cast %multiple_of3A : i32 to index
      %swap3A_27 = tpu.vector_load %arg5[%swap3A] {strides = array<i32>} : memref<10240xf32, #tpu.memory_space<vmem>>, vector<16xf32>,
      tpu.vector_store %arg5[%swap3A], %broadcast_in_dim3A_24 {strides = array<i32>} : memref<10240xf32, #tpu.memory_space<vmem>>, vector<16xf32>,
    }
    %scan3A_4 = arith.constant 640 : i32
    "tpu.region"() ({
      %run_scoped3A = tpu.sem_alloc : memref<!tpu.dma_semaphore, #tpu.memory_space<semaphore_mem>>
      %dma_start3A = arith.constant 0 : i32
      %dma_start3A_19 = tpu.memref_slice %arg2[%add3A, %dma_start3A] : memref<32x10112xi32, #tpu.memory_space<hbm>> -> memref<1x10112xi32, #tpu.memory_space<hbm>>
      %dma_start3A_20 = tpu.memref_squeeze %dma_start3A_19 : memref<1x10112xi32, #tpu.memory_space<hbm>> -> memref<10112xi32, #tpu.memory_space<hbm>>
      %dma_start3A_21 = arith.constant 0 : i32
      %dma_start3A_22 = tpu.memref_slice %arg2[%add3A, %dma_start3A_21] : memref<32x10112xi32, #tpu.memory_space<hbm>> -> memref<1x10112xi32, #tpu.memory_space<hbm>>
      %dma_start3A_23 = tpu.memref_squeeze %dma_start3A_22 : memref<1x10112xi32, #tpu.memory_space<hbm>> -> memref<10112xi32, #tpu.memory_space<hbm>>
      tpu.enqueue_dma source(%dma_start3A_23 : memref<10112xi32, #tpu.memory_space<hbm>>) target(%arg4 : memref<10112xi32, #tpu.memory_space<vmem>>) target_semaphore(%run_scoped3A : memref<!tpu.dma_semaphore, #tpu.memory_space<semaphore_mem>>)
      %dma_wait3A = arith.constant 0 : i32
      %dma_wait3A_24 = tpu.memref_slice %arg2[%add3A, %dma_wait3A] : memref<32x10112xi32, #tpu.memory_space<hbm>> -> memref<1x10112xi32, #tpu.memory_space<hbm>>
      %dma_wait3A_25 = tpu.memref_squeeze %dma_wait3A_24 : memref<1x10112xi32, #tpu.memory_space<hbm>> -> memref<10112xi32, #tpu.memory_space<hbm>>
      %dma_wait3A_26 = arith.constant 0 : i32
      %dma_wait3A_27 = tpu.memref_slice %arg2[%add3A, %dma_wait3A_26] : memref<32x10112xi32, #tpu.memory_space<hbm>> -> memref<1x10112xi32, #tpu.memory_space<hbm>>
      %dma_wait3A_28 = tpu.memref_squeeze %dma_wait3A_27 : memref<1x10112xi32, #tpu.memory_space<hbm>> -> memref<10112xi32, #tpu.memory_space<hbm>>
      tpu.wait_dma2 semaphore(%run_scoped3A : memref<!tpu.dma_semaphore, #tpu.memory_space<semaphore_mem>>) src(%dma_wait3A_28 : memref<10112xi32, #tpu.memory_space<hbm>>) dst(%arg4 : memref<10112xi32, #tpu.memory_space<vmem>>)
      tpu.yield
    }) : () -> ()
    %scan3A_5 = arith.constant 0 : i32
    %scan3A_6 = arith.constant 632 : i32
    %scan3A_7 = arith.addi %scan3A_5, %scan3A_6 : i32
    %scan3A_8 = arith.constant 1 : i32
    scf.for %scan3A_19 = %scan3A_5 to %scan3A_7 step %scan3A_8  : i32 {
      %mul3A_20 = arith.constant 1 : i32
      %mul3A_21 = arith.muli %scan3A_19, %mul3A_20 : i32
      %add3A_22 = arith.constant 0 : i32
      %add3A_23 = arith.addi %add3A_22, %mul3A_21 : i32
      %mul3A_24 = arith.constant 16 : i32
      %mul3A_25 = arith.muli %add3A_23, %mul3A_24 : i32
      %multiple_of3A = tpu.assume_multiple %mul3A_25, 16 : i32
      %get3A = arith.index_cast %multiple_of3A : i32 to index
      %get3A_26 = tpu.vector_load %arg4[%get3A] {strides = array<i32>} : memref<10112xi32, #tpu.memory_space<vmem>>, vector<16xi32>,
      %broadcast_in_dim3A = arith.constant 1.000000e+00 : f32
      %broadcast_in_dim3A_27 = vector.broadcast %broadcast_in_dim3A : f32 to vector<16xf32>
      tpu.vector_store_idx %arg5[%get3A_26], %broadcast_in_dim3A_27 {add = true} : memref<10240xf32, #tpu.memory_space<vmem>>[vector<16xi32>], vector<16xf32>,
    }
    %scan3A_9 = arith.constant 632 : i32
    "tpu.region"() ({
      %run_scoped3A = tpu.sem_alloc : memref<!tpu.dma_semaphore, #tpu.memory_space<semaphore_mem>>
      %dma_start3A = arith.constant 0 : i32
      %dma_start3A_19 = tpu.memref_slice %arg8[%arg1, %dma_start3A] : memref<16x10240xf32, #tpu.memory_space<vmem_shared>> -> memref<1x10240xf32, #tpu.memory_space<vmem_shared>>
      %dma_start3A_20 = tpu.memref_squeeze %dma_start3A_19 : memref<1x10240xf32, #tpu.memory_space<vmem_shared>> -> memref<10240xf32, #tpu.memory_space<vmem_shared>>
      %dma_start3A_21 = arith.constant 0 : i32
      %dma_start3A_22 = tpu.memref_slice %arg8[%arg1, %dma_start3A_21] : memref<16x10240xf32, #tpu.memory_space<vmem_shared>> -> memref<1x10240xf32, #tpu.memory_space<vmem_shared>>
      %dma_start3A_23 = tpu.memref_squeeze %dma_start3A_22 : memref<1x10240xf32, #tpu.memory_space<vmem_shared>> -> memref<10240xf32, #tpu.memory_space<vmem_shared>>
      tpu.enqueue_dma source(%arg5 : memref<10240xf32, #tpu.memory_space<vmem>>) target(%dma_start3A_23 : memref<10240xf32, #tpu.memory_space<vmem_shared>>) target_semaphore(%run_scoped3A : memref<!tpu.dma_semaphore, #tpu.memory_space<semaphore_mem>>)
      %dma_wait3A = arith.constant 0 : i32
      %dma_wait3A_24 = tpu.memref_slice %arg8[%arg1, %dma_wait3A] : memref<16x10240xf32, #tpu.memory_space<vmem_shared>> -> memref<1x10240xf32, #tpu.memory_space<vmem_shared>>
      %dma_wait3A_25 = tpu.memref_squeeze %dma_wait3A_24 : memref<1x10240xf32, #tpu.memory_space<vmem_shared>> -> memref<10240xf32, #tpu.memory_space<vmem_shared>>
      %dma_wait3A_26 = arith.constant 0 : i32
      %dma_wait3A_27 = tpu.memref_slice %arg8[%arg1, %dma_wait3A_26] : memref<16x10240xf32, #tpu.memory_space<vmem_shared>> -> memref<1x10240xf32, #tpu.memory_space<vmem_shared>>
      %dma_wait3A_28 = tpu.memref_squeeze %dma_wait3A_27 : memref<1x10240xf32, #tpu.memory_space<vmem_shared>> -> memref<10240xf32, #tpu.memory_space<vmem_shared>>
      tpu.wait_dma2 semaphore(%run_scoped3A : memref<!tpu.dma_semaphore, #tpu.memory_space<semaphore_mem>>) src(%arg5 : memref<10240xf32, #tpu.memory_space<vmem>>) dst(%dma_wait3A_28 : memref<10240xf32, #tpu.memory_space<vmem_shared>>)
      tpu.yield
    }) : () -> ()
    %barrier3A = arith.constant 0 : index
    tpu.barrier barrier_id(%barrier3A)
    %mul3A_10 = arith.constant 640 : i32
    %mul3A_11 = arith.muli %arg1, %mul3A_10 : i32
    "tpu.region"() ({
      %run_scoped3A = tpu.sem_alloc : memref<!tpu.dma_semaphore, #tpu.memory_space<semaphore_mem>>
      %dma_start3A = arith.constant 0 : i32
      %dma_start3A_19 = tpu.memref_slice %arg8[%dma_start3A, %mul3A_11] : memref<16x10240xf32, #tpu.memory_space<vmem_shared>> -> memref<16x640xf32, #tpu.memory_space<vmem_shared>>
      %dma_start3A_20 = arith.constant 0 : i32
      %dma_start3A_21 = tpu.memref_slice %arg8[%dma_start3A_20, %mul3A_11] : memref<16x10240xf32, #tpu.memory_space<vmem_shared>> -> memref<16x640xf32, #tpu.memory_space<vmem_shared>>
      tpu.enqueue_dma source(%dma_start3A_21 : memref<16x640xf32, #tpu.memory_space<vmem_shared>>) target(%arg6 : memref<16x640xf32, #tpu.memory_space<vmem>>) target_semaphore(%run_scoped3A : memref<!tpu.dma_semaphore, #tpu.memory_space<semaphore_mem>>)
      %dma_wait3A = arith.constant 0 : i32
      %dma_wait3A_22 = tpu.memref_slice %arg8[%dma_wait3A, %mul3A_11] : memref<16x10240xf32, #tpu.memory_space<vmem_shared>> -> memref<16x640xf32, #tpu.memory_space<vmem_shared>>
      %dma_wait3A_23 = arith.constant 0 : i32
      %dma_wait3A_24 = tpu.memref_slice %arg8[%dma_wait3A_23, %mul3A_11] : memref<16x10240xf32, #tpu.memory_space<vmem_shared>> -> memref<16x640xf32, #tpu.memory_space<vmem_shared>>
      tpu.wait_dma2 semaphore(%run_scoped3A : memref<!tpu.dma_semaphore, #tpu.memory_space<semaphore_mem>>) src(%dma_wait3A_24 : memref<16x640xf32, #tpu.memory_space<vmem_shared>>) dst(%arg6 : memref<16x640xf32, #tpu.memory_space<vmem>>)
      tpu.yield
    }) : () -> ()
    %scan3A_12 = arith.constant 0 : i32
    %scan3A_13 = arith.constant 40 : i32
    %scan3A_14 = arith.addi %scan3A_12, %scan3A_13 : i32
    %scan3A_15 = arith.constant 1 : i32
    scf.for %scan3A_19 = %scan3A_12 to %scan3A_14 step %scan3A_15  : i32 {
      %mul3A_20 = arith.constant 1 : i32
      %mul3A_21 = arith.muli %scan3A_19, %mul3A_20 : i32
      %add3A_22 = arith.constant 0 : i32
      %add3A_23 = arith.addi %add3A_22, %mul3A_21 : i32
      %mul3A_24 = arith.constant 16 : i32
      %mul3A_25 = arith.muli %add3A_23, %mul3A_24 : i32
      %multiple_of3A = tpu.assume_multiple %mul3A_25, 16 : i32
      %get3A = arith.constant 0 : i32
      %get3A_26 = arith.index_cast %get3A : i32 to index
      %get3A_27 = arith.index_cast %multiple_of3A : i32 to index
      %get3A_28 = tpu.vector_load %arg6[%get3A_26, %get3A_27] {strides = array<i32>} : memref<16x640xf32, #tpu.memory_space<vmem>>, vector<16xf32>,
      %get3A_29 = arith.constant 1 : i32
      %get3A_30 = arith.index_cast %get3A_29 : i32 to index
      %get3A_31 = arith.index_cast %multiple_of3A : i32 to index
      %get3A_32 = tpu.vector_load %arg6[%get3A_30, %get3A_31] {strides = array<i32>} : memref<16x640xf32, #tpu.memory_space<vmem>>, vector<16xf32>,
      %add3A_33 = arith.addf %get3A_28, %get3A_32 : vector<16xf32>
      %get3A_34 = arith.constant 2 : i32
      %get3A_35 = arith.index_cast %get3A_34 : i32 to index
      %get3A_36 = arith.index_cast %multiple_of3A : i32 to index
      %get3A_37 = tpu.vector_load %arg6[%get3A_35, %get3A_36] {strides = array<i32>} : memref<16x640xf32, #tpu.memory_space<vmem>>, vector<16xf32>,
      %add3A_38 = arith.addf %add3A_33, %get3A_37 : vector<16xf32>
      %get3A_39 = arith.constant 3 : i32
      %get3A_40 = arith.index_cast %get3A_39 : i32 to index
      %get3A_41 = arith.index_cast %multiple_of3A : i32 to index
      %get3A_42 = tpu.vector_load %arg6[%get3A_40, %get3A_41] {strides = array<i32>} : memref<16x640xf32, #tpu.memory_space<vmem>>, vector<16xf32>,
      %add3A_43 = arith.addf %add3A_38, %get3A_42 : vector<16xf32>
      %get3A_44 = arith.constant 4 : i32
      %get3A_45 = arith.index_cast %get3A_44 : i32 to index
      %get3A_46 = arith.index_cast %multiple_of3A : i32 to index
      %get3A_47 = tpu.vector_load %arg6[%get3A_45, %get3A_46] {strides = array<i32>} : memref<16x640xf32, #tpu.memory_space<vmem>>, vector<16xf32>,
      %add3A_48 = arith.addf %add3A_43, %get3A_47 : vector<16xf32>
      %get3A_49 = arith.constant 5 : i32
      %get3A_50 = arith.index_cast %get3A_49 : i32 to index
      %get3A_51 = arith.index_cast %multiple_of3A : i32 to index
      %get3A_52 = tpu.vector_load %arg6[%get3A_50, %get3A_51] {strides = array<i32>} : memref<16x640xf32, #tpu.memory_space<vmem>>, vector<16xf32>,
      %add3A_53 = arith.addf %add3A_48, %get3A_52 : vector<16xf32>
      %get3A_54 = arith.constant 6 : i32
      %get3A_55 = arith.index_cast %get3A_54 : i32 to index
      %get3A_56 = arith.index_cast %multiple_of3A : i32 to index
      %get3A_57 = tpu.vector_load %arg6[%get3A_55, %get3A_56] {strides = array<i32>} : memref<16x640xf32, #tpu.memory_space<vmem>>, vector<16xf32>,
      %add3A_58 = arith.addf %add3A_53, %get3A_57 : vector<16xf32>
      %get3A_59 = arith.constant 7 : i32
      %get3A_60 = arith.index_cast %get3A_59 : i32 to index
      %get3A_61 = arith.index_cast %multiple_of3A : i32 to index
      %get3A_62 = tpu.vector_load %arg6[%get3A_60, %get3A_61] {strides = array<i32>} : memref<16x640xf32, #tpu.memory_space<vmem>>, vector<16xf32>,
      %add3A_63 = arith.addf %add3A_58, %get3A_62 : vector<16xf32>
      %get3A_64 = arith.constant 8 : i32
      %get3A_65 = arith.index_cast %get3A_64 : i32 to index
      %get3A_66 = arith.index_cast %multiple_of3A : i32 to index
      %get3A_67 = tpu.vector_load %arg6[%get3A_65, %get3A_66] {strides = array<i32>} : memref<16x640xf32, #tpu.memory_space<vmem>>, vector<16xf32>,
      %add3A_68 = arith.addf %add3A_63, %get3A_67 : vector<16xf32>
      %get3A_69 = arith.constant 9 : i32
      %get3A_70 = arith.index_cast %get3A_69 : i32 to index
      %get3A_71 = arith.index_cast %multiple_of3A : i32 to index
      %get3A_72 = tpu.vector_load %arg6[%get3A_70, %get3A_71] {strides = array<i32>} : memref<16x640xf32, #tpu.memory_space<vmem>>, vector<16xf32>,
      %add3A_73 = arith.addf %add3A_68, %get3A_72 : vector<16xf32>
      %get3A_74 = arith.constant 10 : i32
      %get3A_75 = arith.index_cast %get3A_74 : i32 to index
      %get3A_76 = arith.index_cast %multiple_of3A : i32 to index
      %get3A_77 = tpu.vector_load %arg6[%get3A_75, %get3A_76] {strides = array<i32>} : memref<16x640xf32, #tpu.memory_space<vmem>>, vector<16xf32>,
      %add3A_78 = arith.addf %add3A_73, %get3A_77 : vector<16xf32>
      %get3A_79 = arith.constant 11 : i32
      %get3A_80 = arith.index_cast %get3A_79 : i32 to index
      %get3A_81 = arith.index_cast %multiple_of3A : i32 to index
      %get3A_82 = tpu.vector_load %arg6[%get3A_80, %get3A_81] {strides = array<i32>} : memref<16x640xf32, #tpu.memory_space<vmem>>, vector<16xf32>,
      %add3A_83 = arith.addf %add3A_78, %get3A_82 : vector<16xf32>
      %get3A_84 = arith.constant 12 : i32
      %get3A_85 = arith.index_cast %get3A_84 : i32 to index
      %get3A_86 = arith.index_cast %multiple_of3A : i32 to index
      %get3A_87 = tpu.vector_load %arg6[%get3A_85, %get3A_86] {strides = array<i32>} : memref<16x640xf32, #tpu.memory_space<vmem>>, vector<16xf32>,
      %add3A_88 = arith.addf %add3A_83, %get3A_87 : vector<16xf32>
      %get3A_89 = arith.constant 13 : i32
      %get3A_90 = arith.index_cast %get3A_89 : i32 to index
      %get3A_91 = arith.index_cast %multiple_of3A : i32 to index
      %get3A_92 = tpu.vector_load %arg6[%get3A_90, %get3A_91] {strides = array<i32>} : memref<16x640xf32, #tpu.memory_space<vmem>>, vector<16xf32>,
      %add3A_93 = arith.addf %add3A_88, %get3A_92 : vector<16xf32>
      %get3A_94 = arith.constant 14 : i32
      %get3A_95 = arith.index_cast %get3A_94 : i32 to index
      %get3A_96 = arith.index_cast %multiple_of3A : i32 to index
      %get3A_97 = tpu.vector_load %arg6[%get3A_95, %get3A_96] {strides = array<i32>} : memref<16x640xf32, #tpu.memory_space<vmem>>, vector<16xf32>,
      %add3A_98 = arith.addf %add3A_93, %get3A_97 : vector<16xf32>
      %get3A_99 = arith.constant 15 : i32
      %get3A_100 = arith.index_cast %get3A_99 : i32 to index
      %get3A_101 = arith.index_cast %multiple_of3A : i32 to index
      %get3A_102 = tpu.vector_load %arg6[%get3A_100, %get3A_101] {strides = array<i32>} : memref<16x640xf32, #tpu.memory_space<vmem>>, vector<16xf32>,
      %add3A_103 = arith.addf %add3A_98, %get3A_102 : vector<16xf32>
      %swap3A = arith.index_cast %multiple_of3A : i32 to index
      %swap3A_104 = tpu.vector_load %arg7[%swap3A] {strides = array<i32>} : memref<640xf32, #tpu.memory_space<vmem>>, vector<16xf32>,
      tpu.vector_store %arg7[%swap3A], %add3A_103 {strides = array<i32>} : memref<640xf32, #tpu.memory_space<vmem>>, vector<16xf32>,
    }
    %scan3A_16 = arith.constant 40 : i32
    %mul3A_17 = arith.constant 640 : i32
    %mul3A_18 = arith.muli %arg1, %mul3A_17 : i32
    "tpu.region"() ({
      %run_scoped3A = tpu.sem_alloc : memref<!tpu.dma_semaphore, #tpu.memory_space<semaphore_mem>>
      %dma_start3A = tpu.memref_slice %arg3[%arg0, %mul3A_18] : memref<2x10240xf32, #tpu.memory_space<hbm>> -> memref<1x640xf32, #tpu.memory_space<hbm>>
      %dma_start3A_19 = tpu.memref_squeeze %dma_start3A : memref<1x640xf32, #tpu.memory_space<hbm>> -> memref<640xf32, #tpu.memory_space<hbm>>
      %dma_start3A_20 = tpu.memref_slice %arg3[%arg0, %mul3A_18] : memref<2x10240xf32, #tpu.memory_space<hbm>> -> memref<1x640xf32, #tpu.memory_space<hbm>>
      %dma_start3A_21 = tpu.memref_squeeze %dma_start3A_20 : memref<1x640xf32, #tpu.memory_space<hbm>> -> memref<640xf32, #tpu.memory_space<hbm>>
      tpu.enqueue_dma source(%arg7 : memref<640xf32, #tpu.memory_space<vmem>>) target(%dma_start3A_21 : memref<640xf32, #tpu.memory_space<hbm>>) target_semaphore(%run_scoped3A : memref<!tpu.dma_semaphore, #tpu.memory_space<semaphore_mem>>)
      %dma_wait3A = tpu.memref_slice %arg3[%arg0, %mul3A_18] : memref<2x10240xf32, #tpu.memory_space<hbm>> -> memref<1x640xf32, #tpu.memory_space<hbm>>
      %dma_wait3A_22 = tpu.memref_squeeze %dma_wait3A : memref<1x640xf32, #tpu.memory_space<hbm>> -> memref<640xf32, #tpu.memory_space<hbm>>
      %dma_wait3A_23 = tpu.memref_slice %arg3[%arg0, %mul3A_18] : memref<2x10240xf32, #tpu.memory_space<hbm>> -> memref<1x640xf32, #tpu.memory_space<hbm>>
      %dma_wait3A_24 = tpu.memref_squeeze %dma_wait3A_23 : memref<1x640xf32, #tpu.memory_space<hbm>> -> memref<640xf32, #tpu.memory_space<hbm>>
      tpu.wait_dma2 semaphore(%run_scoped3A : memref<!tpu.dma_semaphore, #tpu.memory_space<semaphore_mem>>) src(%arg7 : memref<640xf32, #tpu.memory_space<vmem>>) dst(%dma_wait3A_24 : memref<640xf32, #tpu.memory_space<hbm>>)
      tpu.yield
    }) : () -> ()
    return
  }
}

module attributes {stable_mosaic.version = 14 : i64} {
  func.func @_mm_scale_kernel(%arg0: i32, %arg1: memref<400x128xf32, #tpu.memory_space<vmem>>, %arg2: memref<128x128xf32, #tpu.memory_space<vmem>>, %arg3: memref<400x1xf32, #tpu.memory_space<vmem>>, %arg4: memref<400x128xf32, #tpu.memory_space<vmem>>) attributes {dimension_semantics = [#tpu.dimension_semantics<arbitrary>], iteration_bounds = array<i64: 25>, scalar_prefetch = 0 : i64, scratch_operands = 0 : i64, tpu.core_type = #tpu.core_type<tc>, window_params = [{transform_indices = @transform_0, window_bounds = array<i64: 400, 128>}, {pipeline_mode = #tpu.pipeline_mode<synchronous>, transform_indices = @transform_1, window_bounds = array<i64: 128, 128>}, {transform_indices = @transform_2, window_bounds = array<i64: 400, 1>}, {transform_indices = @transform_3, window_bounds = array<i64: 400, 128>}]} {
    %get3A = arith.constant 0 : index
    %get3A_0 = arith.constant 0 : index
    %get3A_1 = vector.load %arg3[%get3A, %get3A_0] : memref<400x1xf32, #tpu.memory_space<vmem>>, vector<400x1xf32>
    %get3A_2 = arith.constant 0 : index
    %get3A_3 = arith.constant 0 : index
    %get3A_4 = vector.load %arg1[%get3A_2, %get3A_3] : memref<400x128xf32, #tpu.memory_space<vmem>>, vector<400x128xf32>
    %get3A_5 = arith.constant 0 : index
    %get3A_6 = arith.constant 0 : index
    %get3A_7 = vector.load %arg2[%get3A_5, %get3A_6] : memref<128x128xf32, #tpu.memory_space<vmem>>, vector<128x128xf32>
    %dot_general3A = arith.constant dense<0.000000e+00> : vector<400x128xf32>
    %dot_general3A_8 = tpu.matmul %get3A_4, %get3A_7, %dot_general3A {dimension_numbers = #tpu.dot_dimension_numbers<[1], [0], [0], [1], [0, 0, 1, 1], [], []>, transpose_lhs_hint = false} : vector<400x128xf32>, vector<128x128xf32>, vector<400x128xf32> -> vector<400x128xf32>
    %mul3A = vector.broadcast %get3A_1 : vector<400x1xf32> to vector<400x128xf32>
    %mul3A_9 = arith.mulf %mul3A, %dot_general3A_8 : vector<400x128xf32>
    %swap3A = arith.constant 0 : index
    %swap3A_10 = arith.constant 0 : index
    %swap3A_11 = vector.load %arg4[%swap3A, %swap3A_10] : memref<400x128xf32, #tpu.memory_space<vmem>>, vector<400x128xf32>
    tpu.vector_store %arg4[%swap3A, %swap3A_10], %mul3A_9 {strides = array<i32>} : memref<400x128xf32, #tpu.memory_space<vmem>>, vector<400x128xf32>,
    return
  }
  func.func @transform_0(%arg0: i32) -> (i32, i32) {
    %c0_i32 = arith.constant 0 : i32
    %c0_i32_0 = arith.constant 0 : i32
    return %arg0, %c0_i32 : i32, i32
  }
  func.func @transform_1(%arg0: i32) -> (i32, i32) {
    %c0_i32 = arith.constant 0 : i32
    %c0_i32_0 = arith.constant 0 : i32
    %c0_i32_1 = arith.constant 0 : i32
    return %c0_i32, %c0_i32_0 : i32, i32
  }
  func.func @transform_2(%arg0: i32) -> (i32, i32) {
    %c0_i32 = arith.constant 0 : i32
    %c0_i32_0 = arith.constant 0 : i32
    return %arg0, %c0_i32 : i32, i32
  }
  func.func @transform_3(%arg0: i32) -> (i32, i32) {
    %c0_i32 = arith.constant 0 : i32
    %c0_i32_0 = arith.constant 0 : i32
    return %arg0, %c0_i32 : i32, i32
  }
}

module attributes {stable_mosaic.version = 14 : i64} {
  func.func @_mid_kernel(%arg0: i32, %arg1: memref<2x400x128xf32, #tpu.memory_space<vmem>>, %arg2: memref<400x128xf32, #tpu.memory_space<vmem>>, %arg3: memref<400x1xf32, #tpu.memory_space<vmem>>, %arg4: memref<1x128xf32, #tpu.memory_space<vmem>>, %arg5: memref<128x128xf32, #tpu.memory_space<vmem>>, %arg6: memref<400x128xf32, #tpu.memory_space<vmem>>) attributes {dimension_semantics = [#tpu.dimension_semantics<arbitrary>], iteration_bounds = array<i64: 25>, scalar_prefetch = 0 : i64, scratch_operands = 0 : i64, tpu.core_type = #tpu.core_type<tc>, window_params = [{transform_indices = @transform_0, window_bounds = array<i64: 2, 400, 128>}, {transform_indices = @transform_1, window_bounds = array<i64: 400, 128>}, {transform_indices = @transform_2, window_bounds = array<i64: 400, 1>}, {pipeline_mode = #tpu.pipeline_mode<synchronous>, transform_indices = @transform_3, window_bounds = array<i64: 1, 128>}, {pipeline_mode = #tpu.pipeline_mode<synchronous>, transform_indices = @transform_4, window_bounds = array<i64: 128, 128>}, {transform_indices = @transform_5, window_bounds = array<i64: 400, 128>}]} {
    %get3A = arith.constant 0 : index
    %get3A_0 = arith.constant 0 : index
    %get3A_1 = arith.constant 0 : index
    %get3A_2 = vector.load %arg1[%get3A, %get3A_0, %get3A_1] : memref<2x400x128xf32, #tpu.memory_space<vmem>>, vector<1x400x128xf32>
    %get3A_3 = vector.shape_cast %get3A_2 : vector<1x400x128xf32> to vector<400x128xf32>
    %get3A_4 = arith.constant 1 : index
    %get3A_5 = arith.constant 0 : index
    %get3A_6 = arith.constant 0 : index
    %get3A_7 = vector.load %arg1[%get3A_4, %get3A_5, %get3A_6] : memref<2x400x128xf32, #tpu.memory_space<vmem>>, vector<1x400x128xf32>
    %get3A_8 = vector.shape_cast %get3A_7 : vector<1x400x128xf32> to vector<400x128xf32>
    %add3A = arith.addf %get3A_3, %get3A_8 : vector<400x128xf32>
    %get3A_9 = arith.constant 0 : index
    %get3A_10 = arith.constant 0 : index
    %get3A_11 = vector.load %arg2[%get3A_9, %get3A_10] : memref<400x128xf32, #tpu.memory_space<vmem>>, vector<400x128xf32>
    %add3A_12 = arith.addf %add3A, %get3A_11 : vector<400x128xf32>
    %get3A_13 = arith.constant 0 : index
    %get3A_14 = arith.constant 0 : index
    %get3A_15 = vector.load %arg3[%get3A_13, %get3A_14] : memref<400x1xf32, #tpu.memory_space<vmem>>, vector<400x1xf32>
    %mul3A = vector.broadcast %get3A_15 : vector<400x1xf32> to vector<400x128xf32>
    %mul3A_16 = arith.mulf %mul3A, %add3A_12 : vector<400x128xf32>
    %get3A_17 = arith.constant 0 : index
    %get3A_18 = arith.constant 0 : index
    %get3A_19 = vector.load %arg4[%get3A_17, %get3A_18] : memref<1x128xf32, #tpu.memory_space<vmem>>, vector<1x128xf32>
    %add3A_20 = vector.broadcast %get3A_19 : vector<1x128xf32> to vector<400x128xf32>
    %add3A_21 = arith.addf %mul3A_16, %add3A_20 : vector<400x128xf32>
    %max3A = arith.constant 0.000000e+00 : f32
    %max3A_22 = vector.broadcast %max3A : f32 to vector<400x128xf32>
    %max3A_23 = arith.maximumf %add3A_21, %max3A_22 : vector<400x128xf32>
    %get3A_24 = arith.constant 0 : index
    %get3A_25 = arith.constant 0 : index
    %get3A_26 = vector.load %arg3[%get3A_24, %get3A_25] : memref<400x1xf32, #tpu.memory_space<vmem>>, vector<400x1xf32>
    %get3A_27 = arith.constant 0 : index
    %get3A_28 = arith.constant 0 : index
    %get3A_29 = vector.load %arg5[%get3A_27, %get3A_28] : memref<128x128xf32, #tpu.memory_space<vmem>>, vector<128x128xf32>
    %dot_general3A = arith.constant dense<0.000000e+00> : vector<400x128xf32>
    %dot_general3A_30 = tpu.matmul %max3A_23, %get3A_29, %dot_general3A {dimension_numbers = #tpu.dot_dimension_numbers<[1], [0], [0], [1], [0, 0, 1, 1], [], []>, transpose_lhs_hint = false} : vector<400x128xf32>, vector<128x128xf32>, vector<400x128xf32> -> vector<400x128xf32>
    %mul3A_31 = vector.broadcast %get3A_26 : vector<400x1xf32> to vector<400x128xf32>
    %mul3A_32 = arith.mulf %mul3A_31, %dot_general3A_30 : vector<400x128xf32>
    %swap3A = arith.constant 0 : index
    %swap3A_33 = arith.constant 0 : index
    %swap3A_34 = vector.load %arg6[%swap3A, %swap3A_33] : memref<400x128xf32, #tpu.memory_space<vmem>>, vector<400x128xf32>
    tpu.vector_store %arg6[%swap3A, %swap3A_33], %mul3A_32 {strides = array<i32>} : memref<400x128xf32, #tpu.memory_space<vmem>>, vector<400x128xf32>,
    return
  }
  func.func @transform_0(%arg0: i32) -> (i32, i32, i32) {
    %c0_i32 = arith.constant 0 : i32
    %c0_i32_0 = arith.constant 0 : i32
    %c0_i32_1 = arith.constant 0 : i32
    return %c0_i32, %arg0, %c0_i32_0 : i32, i32, i32
  }
  func.func @transform_1(%arg0: i32) -> (i32, i32) {
    %c0_i32 = arith.constant 0 : i32
    %c0_i32_0 = arith.constant 0 : i32
    return %arg0, %c0_i32 : i32, i32
  }
  func.func @transform_2(%arg0: i32) -> (i32, i32) {
    %c0_i32 = arith.constant 0 : i32
    %c0_i32_0 = arith.constant 0 : i32
    return %arg0, %c0_i32 : i32, i32
  }
  func.func @transform_3(%arg0: i32) -> (i32, i32) {
    %c0_i32 = arith.constant 0 : i32
    %c0_i32_0 = arith.constant 0 : i32
    %c0_i32_1 = arith.constant 0 : i32
    return %c0_i32, %c0_i32_0 : i32, i32
  }
  func.func @transform_4(%arg0: i32) -> (i32, i32) {
    %c0_i32 = arith.constant 0 : i32
    %c0_i32_0 = arith.constant 0 : i32
    %c0_i32_1 = arith.constant 0 : i32
    return %c0_i32, %c0_i32_0 : i32, i32
  }
  func.func @transform_5(%arg0: i32) -> (i32, i32) {
    %c0_i32 = arith.constant 0 : i32
    %c0_i32_0 = arith.constant 0 : i32
    return %arg0, %c0_i32 : i32, i32
  }
}

module attributes {stable_mosaic.version = 14 : i64} {
  func.func @_final_kernel(%arg0: i32, %arg1: memref<2x400x128xf32, #tpu.memory_space<vmem>>, %arg2: memref<400x128xf32, #tpu.memory_space<vmem>>, %arg3: memref<400x1xf32, #tpu.memory_space<vmem>>, %arg4: memref<1x128xf32, #tpu.memory_space<vmem>>, %arg5: memref<400x128xf32, #tpu.memory_space<vmem>>) attributes {dimension_semantics = [#tpu.dimension_semantics<arbitrary>], iteration_bounds = array<i64: 25>, scalar_prefetch = 0 : i64, scratch_operands = 0 : i64, tpu.core_type = #tpu.core_type<tc>, window_params = [{transform_indices = @transform_0, window_bounds = array<i64: 2, 400, 128>}, {transform_indices = @transform_1, window_bounds = array<i64: 400, 128>}, {transform_indices = @transform_2, window_bounds = array<i64: 400, 1>}, {pipeline_mode = #tpu.pipeline_mode<synchronous>, transform_indices = @transform_3, window_bounds = array<i64: 1, 128>}, {transform_indices = @transform_4, window_bounds = array<i64: 400, 128>}]} {
    %get3A = arith.constant 0 : index
    %get3A_0 = arith.constant 0 : index
    %get3A_1 = arith.constant 0 : index
    %get3A_2 = vector.load %arg1[%get3A, %get3A_0, %get3A_1] : memref<2x400x128xf32, #tpu.memory_space<vmem>>, vector<1x400x128xf32>
    %get3A_3 = vector.shape_cast %get3A_2 : vector<1x400x128xf32> to vector<400x128xf32>
    %get3A_4 = arith.constant 1 : index
    %get3A_5 = arith.constant 0 : index
    %get3A_6 = arith.constant 0 : index
    %get3A_7 = vector.load %arg1[%get3A_4, %get3A_5, %get3A_6] : memref<2x400x128xf32, #tpu.memory_space<vmem>>, vector<1x400x128xf32>
    %get3A_8 = vector.shape_cast %get3A_7 : vector<1x400x128xf32> to vector<400x128xf32>
    %add3A = arith.addf %get3A_3, %get3A_8 : vector<400x128xf32>
    %get3A_9 = arith.constant 0 : index
    %get3A_10 = arith.constant 0 : index
    %get3A_11 = vector.load %arg2[%get3A_9, %get3A_10] : memref<400x128xf32, #tpu.memory_space<vmem>>, vector<400x128xf32>
    %add3A_12 = arith.addf %add3A, %get3A_11 : vector<400x128xf32>
    %get3A_13 = arith.constant 0 : index
    %get3A_14 = arith.constant 0 : index
    %get3A_15 = vector.load %arg3[%get3A_13, %get3A_14] : memref<400x1xf32, #tpu.memory_space<vmem>>, vector<400x1xf32>
    %mul3A = vector.broadcast %get3A_15 : vector<400x1xf32> to vector<400x128xf32>
    %mul3A_16 = arith.mulf %mul3A, %add3A_12 : vector<400x128xf32>
    %get3A_17 = arith.constant 0 : index
    %get3A_18 = arith.constant 0 : index
    %get3A_19 = vector.load %arg4[%get3A_17, %get3A_18] : memref<1x128xf32, #tpu.memory_space<vmem>>, vector<1x128xf32>
    %add3A_20 = vector.broadcast %get3A_19 : vector<1x128xf32> to vector<400x128xf32>
    %add3A_21 = arith.addf %mul3A_16, %add3A_20 : vector<400x128xf32>
    %swap3A = arith.constant 0 : index
    %swap3A_22 = arith.constant 0 : index
    %swap3A_23 = vector.load %arg5[%swap3A, %swap3A_22] : memref<400x128xf32, #tpu.memory_space<vmem>>, vector<400x128xf32>
    tpu.vector_store %arg5[%swap3A, %swap3A_22], %add3A_21 {strides = array<i32>} : memref<400x128xf32, #tpu.memory_space<vmem>>, vector<400x128xf32>,
    return
  }
  func.func @transform_0(%arg0: i32) -> (i32, i32, i32) {
    %c0_i32 = arith.constant 0 : i32
    %c0_i32_0 = arith.constant 0 : i32
    %c0_i32_1 = arith.constant 0 : i32
    return %c0_i32, %arg0, %c0_i32_0 : i32, i32, i32
  }
  func.func @transform_1(%arg0: i32) -> (i32, i32) {
    %c0_i32 = arith.constant 0 : i32
    %c0_i32_0 = arith.constant 0 : i32
    return %arg0, %c0_i32 : i32, i32
  }
  func.func @transform_2(%arg0: i32) -> (i32, i32) {
    %c0_i32 = arith.constant 0 : i32
    %c0_i32_0 = arith.constant 0 : i32
    return %arg0, %c0_i32 : i32, i32
  }
  func.func @transform_3(%arg0: i32) -> (i32, i32) {
    %c0_i32 = arith.constant 0 : i32
    %c0_i32_0 = arith.constant 0 : i32
    %c0_i32_1 = arith.constant 0 : i32
    return %c0_i32, %c0_i32_0 : i32, i32
  }
  func.func @transform_4(%arg0: i32) -> (i32, i32) {
    %c0_i32 = arith.constant 0 : i32
    %c0_i32_0 = arith.constant 0 : i32
    return %arg0, %c0_i32 : i32, i32
  }
}

</mosaic_0001>

<sc_bundles>
// kernel: kernel.11.cloned.1.call-start
scs
__scs_entry_jumppad:
0x0: {  	(pc) =	sbr.rel $0x88, $3  }
0x1: {  	(tag) =	ssettag $0x0;
	lr =	simm.s32 $0x1  }
0x2: {  	[smem:$0x3F9B] =	sst lr;
	_ =	strace $0xD0000000  }
0x3: {  	_ = 	snop  }
0x4: {  	_ = 	snop  }
0x5: {  	_ = 	snop  }
0x6: {  	_ = 	snop  }
0x7: {  	_ = 	snop  }
__scs_overlays_trampoline_lowered:
0x8: {  	[smem:$0x3FAA] =	sst s0  }
0x9: {  	[smem:$0x3FAB] =	sst s1  }
0xa: {  	[smem:$0x3FAC] =	sst s2  }
0xb: {  	[smem:$0x3FAD] =	sst s3  }
0xc: {  	[smem:$0x3FAE] =	sst s4  }
0xd: {  	[smem:$0x3FAF] =	sst s5  }
0xe: {  	[smem:$0x3FB0] =	sst s6  }
0xf: {  	[smem:$0x3FB1] =	sst s7  }
0x10: {  	[smem:$0x3FB2] =	sst s8  }
0x11: {  	[smem:$0x3FB3] =	sst s9;
	s0 =	simm.s32 @!p0 $0x0  }
0x12: {  	s1 =	sld [smem:$0x3F99];
	s0 =	simm.s32 @p0 $0x1  }
0x13: {  	[smem:$0x3FB4] =	sst s0;
	s0 =	simm.s32 @!p1 $0x0  }
0x14: {  	s2 =	sld [smem:$0x3F98];
	s0 =	simm.s32 @p1 $0x1  }
0x15: {  	[smem:$0x3FB5] =	sst s0;
	s0 =	simm.s32 @!p2 $0x0  }
0x16: {  	s3 =	sld [smem:$0x3FDB];
	s0 =	simm.s32 @p2 $0x1  }
0x17: {  	s4 =	simm.s32 $0x1BF5;
	[smem:$0x3FB7] =	sst s0  }
0x18: {  	s0 =	sld [smem:$0x3F9A];
	_ =	swait.ge [sflag:s4], $0x0  }
0x19: {  	s7 =	sld [smem:$0x3F9B]  }
0x1a: {  	s8 =	sadd.s32 $0xFFFFE003, lr  }
0x1b: {  	s9 =	sadd.s32 $0xFFFFFEF7, lr;
	s5 =	simm.s32 $0xFFFFFFFF;
	p2 =	slt.u32 s8, $0xFFFFF086  }
0x1c: {  	p1 =	slt.u32 s9, $0xF7A;
	s5 =	simm.s32 @!p2 $0x0  }
0x1d: {  	s5 =	simm.s32 @p1 $0x1;
	p0 =	seq.s32 s7, s2  }
0x1e: {  	s7 =	smul.u32 @!p0 $0xF7A, s2;
	p2 =	seq.s32 @!p0 s5, $0x0  }
0x1f: {  	s9 =	smul.u32 $0xF7A, s1;
	s8 =	simm.s32 @!p0 $0x1BF5;
	p2 =	por !p2, p0  }
0x20: {  	[sflag:s8] =	ssyncset.s32 @!p0 $0xFFFFF086;
	s6 =	sadd.s32 @!p0 s3, s7;
	s7 =	simm.s32 @!p0 $0x108  }
0x21: {  	s3 =	sadd.s32 s3, s9;
	s6 =	sadd.s32 @!p0 $0x88, s6;
	s7 =	simm.s32 @p2 $0x1082  }
0x22: {  	[simem:s7], [sflag:s8] =	dma.local @!p0 [hbm:s6], $0xF7A  }
0x23: {  	s9 =	sor.u32 $0xD0000000, s2;
	s6 =	simm.s32 $0x108;
	_ =	swait.ge @!p0 [sflag:s8], $0x0  }
0x24: {  	s3 =	sadd.s32 $0x88, s3;
	s6 =	simm.s32 @!p1 $0x1082;
	[sflag:s4] =	ssyncset.s32 $0xFFFFF086  }
0x25: {  	[simem:s6], [sflag:s4] =	dma.local [hbm:s3], $0xF7A  }
0x26: {  	[smem:$0x3F9B] =	sst s1;
	(tag) =	ssettag s2;
	_ =	strace s9  }
0x27: {  	s1 =	sld [smem:$0x3FAB]  }
0x28: {  	s2 =	sld [smem:$0x3FAC]  }
0x29: {  	s4 =	sld [smem:$0x3FAE]  }
0x2a: {  	p0 =	seq.s32 s5, $0x0;
	s5 =	sld [smem:$0x3FAF]  }
0x2b: {  	s6 =	sld [smem:$0x3FB0]  }
0x2c: {  	s7 =	sld [smem:$0x3FB1]  }
0x2d: {  	s3 =	simm.s32 $0x108;
	s8 =	sld [smem:$0x3FB2]  }
0x2e: {  	s3 =	simm.s32 @!p0 $0x1082;
	s9 =	sld [smem:$0x3FB3]  }
0x2f: {  	lr =	sadd.s32 s0, s3;
	s0 =	sld [smem:$0x3FAA]  }
0x30: {  	s3 =	sld [smem:$0x3FAD]  }
0x31: {  	[smem:$0x3FB6] =	sst s10  }
0x32: {  	s10 =	sld [smem:$0x3FB4];
	_ =	sdelay $0x3  }
0x33: {  	p0 =	seq.s32 s10, $0x1;
	s10 =	sld [smem:$0x3FB6];
	_ =	sdelay $0x3  }
0x34: {  	[smem:$0x3FB6] =	sst s10  }
0x35: {  	s10 =	sld [smem:$0x3FB5];
	_ =	sdelay $0x3  }
0x36: {  	p1 =	seq.s32 s10, $0x1;
	s10 =	sld [smem:$0x3FB6];
	_ =	sdelay $0x3  }
0x37: {  	[smem:$0x3FB6] =	sst s10  }
0x38: {  	s10 =	sld [smem:$0x3FB7]  }
0x39: {  	_ = 	snop;
	(pc) =	sbr.ind lr, $3  }
0x3a: {  	_ = 	snop  }
0x3b: {  	_ = 	snop  }
0x3c: {  	p2 =	seq.s32 s10, $0x1;
	s10 =	sld [smem:$0x3FB6]  }
0x3d: {  	_ =	shalt  }
0x3e: {  	_ =	shalt  }
0x3f: {  	_ =	shalt  }
0x40: {  	_ =	shalt  }
0x41: {  	_ =	shalt  }
0x42: {  	_ =	shalt  }
0x43: {  	_ =	shalt  }
0x44: {  	_ =	shalt  }
0x45: {  	_ =	shalt  }
0x46: {  	_ =	shalt  }
0x47: {  	_ =	shalt  }
0x48: {  	_ =	shalt  }
0x49: {  	_ =	shalt  }
0x4a: {  	_ =	shalt  }
0x4b: {  	_ =	shalt  }
0x4c: {  	_ =	shalt  }
0x4d: {  	_ =	shalt  }
0x4e: {  	_ =	shalt  }
0x4f: {  	_ =	shalt  }
0x50: {  	_ =	shalt  }
0x51: {  	_ =	shalt  }
0x52: {  	_ =	shalt  }
0x53: {  	_ =	shalt  }
0x54: {  	_ =	shalt  }
0x55: {  	_ =	shalt  }
0x56: {  	_ =	shalt  }
0x57: {  	_ =	shalt  }
0x58: {  	_ =	shalt  }
0x59: {  	_ =	shalt  }
0x5a: {  	_ =	shalt  }
0x5b: {  	_ =	shalt  }
0x5c: {  	_ =	shalt  }
0x5d: {  	_ =	shalt  }
0x5e: {  	_ =	shalt  }
0x5f: {  	_ =	shalt  }
0x60: {  	_ =	shalt  }
0x61: {  	_ =	shalt  }
0x62: {  	_ =	shalt  }
0x63: {  	_ =	shalt  }
0x64: {  	_ =	shalt  }
0x65: {  	_ =	shalt  }
0x66: {  	_ =	shalt  }
0x67: {  	_ =	shalt  }
0x68: {  	_ =	shalt  }
0x69: {  	_ =	shalt  }
0x6a: {  	_ =	shalt  }
0x6b: {  	_ =	shalt  }
0x6c: {  	_ =	shalt  }
0x6d: {  	_ =	shalt  }
0x6e: {  	_ =	shalt  }
0x6f: {  	_ =	shalt  }
0x70: {  	_ =	shalt  }
0x71: {  	_ =	shalt  }
0x72: {  	_ =	shalt  }
0x73: {  	_ =	shalt  }
0x74: {  	_ =	shalt  }
0x75: {  	_ =	shalt  }
0x76: {  	_ =	shalt  }
0x77: {  	_ =	shalt  }
0x78: {  	_ =	shalt  }
0x79: {  	_ =	shalt  }
0x7a: {  	_ =	shalt  }
0x7b: {  	_ =	shalt  }
0x7c: {  	_ =	shalt  }
0x7d: {  	_ =	shalt  }
0x7e: {  	_ =	shalt  }
0x7f: {  	_ =	shalt  }
0x80: {  	_ =	shalt  }
0x81: {  	_ =	shalt  }
0x82: {  	_ =	shalt  }
0x83: {  	_ =	shalt  }
0x84: {  	_ =	shalt  }
0x85: {  	_ =	shalt  }
0x86: {  	_ =	shalt  }
0x87: {  	_ =	shalt  }
.Lfunc_end0:
.L_simem_size_0:
called_computation.1_lowered:
.L_overlay_start_0:
0x88: {  	s2 =	sld [smem:$0x3FD9]  }
0x89: {  	s3 =	sld [smem:$0x3FFE];
	_ =	sdelay $0x1  }
0x8a: {  	s1 =	srdreg.scid  }
0x8b: {  	s0 =	sand.u32 $0x1, s1  }
0x8c: {  	s17 =	sshll.u32 s0, $0xA;
	s2 =	sadd.s32 s3, s2  }
0x8d: {  	s2 =	sadd.s32 s2, s17  }
0x8e: {  	[smem:$0x3FC2] =	sst s2  }
0x8f: {  	_ = 	snop  }
0x90: {  	s2 =	sld [smem:$0x3FD0];
	(tm) =	ssettm $0x1  }
0x91: {  	s18 =	sld [smem:$0x3FFB];
	_ =	sdelay $0x3  }
0x92: {  	_ =	strace s18  }
0x93: {  	s3 =	sld [smem:$0x3FFC];
	_ =	sdelay $0x3  }
0x94: {  	_ =	strace s3  }
0x95: {  	s3 =	sld [smem:$0x3FFD];
	_ =	sdelay $0x3  }
0x96: {  	_ =	strace s3  }
0x97: {  	_ =	strace $0x8FFFFFFF  }
0x98: {  	s19 =	sld [smem:$0x3FDB];
	_ =	sdelay $0x1  }
0x99: {  	s4 =	simm.s32 $_scs_section_size  }
0x9a: {  	s5 =	simm.s32 $_size__tile_overlayer_lowered;
	s6 =	simm.s32 $_tile_overlayer_lowered  }
0x9b: {  	s22 =	simm.s32 $0x1BFF;
	s21 =	sshll.u32 s6, $0x1;
	s3 =	sadd.s32 s4, s19  }
0x9c: {  	s7 =	simm.s32 $0x0;
	s20 =	sshll.u32 s5, $0x1;
	s5 =	sadd.s32 s21, s3  }
0x9d: {  	[timem:s7], [sflag:s22] =	dma.local [hbm:s5], s20  }
0x9e: {  	_ =	swait.ge [sflag:s22], s20  }
0x9f: {  	s4 =	ssub.s32 $0x0, s20;
	[sflag:s22] =	ssyncset.done $0x0  }
0xa0: {  	[sflag:s22] =	ssyncadd.s32 s4;
	_ =	sdelay $0x1  }
0xa1: {  	s23 =	simm.s32 $0x1B8B  }
0xa2: {  	_ =	swait.ge [sflag:s23], $0x1  }
0xa3: {  	[sflag:s23] =	ssyncset.done $0x0  }
0xa4: {  	s25 =	simm.s32 $0x1B8E;
	s24 =	sld [smem:$0x3FFE];
	[sflag:s23] =	ssyncadd.s32 $0xFFFFFFFF  }
0xa5: {  	s26 =	simm.s32 $execute0_lowered;
	[smem:$0x3FD2] =	sst s25  }
0xa6: {  	s5 =	sshll.u32 s26, $0x1;
	_ =	strace $0x80000049;
	[dreg:$0x1] =	wrdreg $0xFFFFFFFF  }
0xa7: {  	s28 =	simm.s32 $_size_execute0_lowered;
	s3 =	sadd.s32 s3, s5;
	[dreg:$0x0] =	wrdreg $0x0  }
0xa8: {  	s5 =	sshll.u32 s28, $0x1;
	[dreg:$0x2] =	wrdreg s3  }
0xa9: {  	[dreg:$0x3] =	wrdreg s5  }
0xaa: {  	[dreg:$0x4] =	wrdreg $0xC0  }
0xab: {  	_ =	task [dreg:s7], $0x5FFFF  }
0xac: {  	[dreg:$0x1] =	wrdreg $0xFFFFFFFF  }
0xad: {  	[dreg:$0x0] =	wrdreg $0x60  }
0xae: {  	[dreg:$0x2] =	wrdreg s2  }
0xaf: {  	[dreg:$0x3] =	wrdreg s24  }
0xb0: {  	[dreg:$0x4] =	wrdreg $0x41000  }
0xb1: {  	[dreg:$0x5] =	wrdreg $0x9  }
0xb2: {  	_ =	task.clear_ibuf [dreg:s7], $0x6FFFF;
	_ =	strace $0x90000049  }
0xb3: {  	s29 =	simm.s32 $0x9;
	_ =	strace $0x8000004B  }
0xb4: {  	_ =	swait.ge [sflag:s29], $0x1  }
0xb5: {  	[sflag:s29] =	ssyncadd.s32 $0xFFFFFFFF  }
0xb6: {  	_ =	strace $0x9000004B  }
0xb7: {  	_ =	sfence  }
0xb8: {  	s30 =	sld [smem:$0x0];
	_ =	sdelay $0x2  }
0xb9: {  	s31 =	sshll.u32 s1, $0xD;
	s1 =	sshrl.u32 s1, $0x2  }
0xba: {  	s3 =	sand.u32 $0x4000, s31;
	s1 =	sadd.s32 s1, s30  }
0xbb: {  	s0 =	sor.u32 s3, s0;
	s1 =	sshll.u32 s1, $0x11  }
0xbc: {  	s0 =	sor.u32 s1, s0  }
0xbd: {  	s0 =	sadd.s32 $0x8F2B, s0  }
0xbe: {  	[sflag:s0] =	ssyncadd.remote.s32 $0x1  }
0xbf: {  	_ =	sfence.sel $0xFFFF  }
0xc0: {  	[dreg:$0x0] =	wrdreg $0xFFFFFFFF;
	(pc) =	sbr.abs _section_cstart, $3  }
0xc1: {  	[dreg:$0x1] =	wrdreg $0xFFFFFFFF  }
0xc2: {  	_ =	task.clear_ibuf [dreg:s7], $0x2FFFF;
	_ =	strace $0x9FFFFFFF  }
0xc3: {  	(tm) =	ssettm $0x7FFFFFFF  }
tec
execute0_lowered:
.L_overlay_start_1:
0x0: {  	(tag) =	ssettag $0x1  }
0x1: {  	s0 =	rddreg [dreg:$0x0]  }
0x2: {  	s8 =	rddreg [dreg:$0x1]  }
0x3: {  	s1 =	srdreg.scid;
	s3 =	rddreg [dreg:$0x2]  }
0x4: {  	s2 =	stileid.u32;
	s4 =	simm.s32 $0x0;
	s15 =	simm.s32 $0x80  }
0x5: {  	s16 =	simm.s32 $0x100;
	s17 =	simm.s32 $0x1;
	s18 =	simm.s32 $0x0  }
0x6: {  	s9 =	sand.u32 $0x1, s1;
	s1 =	rddreg [dreg:$0x3];
	s6 =	smul.u32 $0x13C00, s2  }
0x7: {  	[smem:$0x7FF] =	sst s4;
	s13 =	smul.u32 $0x4F000, s2;
	s31 =	sshll.u32 s2, $0x6  }
0x8: {  	s5 =	smul.u32 $0x13C000, s9;
	_ =	strace $0x8000004A;
	s26 =	ssub.s32 $0x2, s9  }
0x9: {  	s12 =	sshll.u32 s9, $0x4;
	p0 =	seq.s32 s9, $0x0;
	s9 =	sor.u32 $0x1C02, s31  }
0xa: {  	s28 =	sshrl.u32 s26, $0x1;
	s29 =	sor.u32 s2, s12;
	s30 =	sshrl.u32 s13, $0x2  }
0xb: {  	s7 =	sadd.s32 s6, s5;
	s5 =	sadd.s32 $0xE800, s8;
	s6 =	sadd.s32 $0x2800, s8  }
0xc: {  	s14 =	ssub.s32 s26, s28;
	s13 =	sadd.s32 s30, s3;
	s10 =	sshrl.u32 s7, $0x3  }
0xd: {  	s7 =	sadd.s32 $0x1A800, s8;
	s12 =	smax.u32 s14, $0x1;
	s13 =	sshrl.u32 s13, $0x3  }
0xe: {  	s14 =	simm.s32 $0x2;
	s11 =	sadd.s32 s10, s8;
	s8 =	simm.s32 $0x2F00  }
0xf: {  	s10 =	smul.u32 $0x3000, s29;
	s8 =	simm.s32 @!p0 $0x2000;
	s11 =	sadd.s32 $0x1D000, s11  }
.LBB2_1:
0x10: {  	[spmem:s13], [sflag:s9] =	dma.local [hbm:s7], $0x2780  }
0x11: {  	p1 =	sne.s32 s8, $0x80  }
.Ltmp0:
0x12: {  	_ =	swait.ge [sflag:s14], $0x2780;
	(pc) =	sbr.rel @!p1 .LBB2_4-.Ltmp0, $4  }
0x13: {  	[sflag:s14] =	ssyncset.done $0x0  }
0x14: {  	s19 =	sand.u32 $0xFFFFFC00, s4;
	[sflag:s14] =	ssyncadd.s32 $0xFFFFD880  }
0x15: {  	s21 =	sand.u32 $0x380, s4;
	s19 =	sadd.s32 s10, s19;
	[bflag:$0x0] =	sbarrier.arrive $0xFFFF  }
0x16: {  	s20 =	simm.s32 $0x80;
	p0 =	por $0x0, $0x0;
	s21 =	sor.u32 s21, s19  }
0x17: {  	s19 =	sshrl.u32 s21, $0x3  }
0x18: {  	s21 =	sadd.s32 s5, s19  }
0x19: {  	[tilespmem:s4], [sflag:$0x2] =	stream.linear.gather [hbm4b:s21+s4], $0x80, $0x38;
	[tilespmem:$0x17D00] =	vst v63  }
0x1a: {  	_ =	swait.ge [sflag:s14], $0x80  }
0x1b: {  	[sflag:s14] =	ssyncset.done $0x0  }
0x1c: {  	s19 =	sadd.s32 s6, s19;
	[sflag:s14] =	ssyncadd.s32 $0xFFFFFF80  }
0x1d: {  	[tilespmem:s15], [sflag:$0x2] =	stream.linear.gather [hbm4b:s19+s4], $0x80, $0x38;
	[tilespmem:$0x17D00] =	vst v63  }
0x1e: {  	_ =	swait.ge [sflag:s14], $0x80  }
0x1f: {  	[sflag:s14] =	ssyncset.done $0x0  }
0x20: {  	[sflag:s14] =	ssyncadd.s32 $0xFFFFFF80  }
0x21: {  	[tilespmem:s16], [sflag:$0x1] =	stream.indirect.gather [hbm4b:s0+s15], $0x80, s4, s15, $0xb8;
	[tilespmem:$0x17D00] =	vst v63  }
0x22: {  	p1 =	sne.s32 s8, $0x100;
	_ =	swait.ge [sflag:s17], $0x4000  }
.Ltmp1:
0x23: {  	[sflag:s17] =	ssyncset.done $0x0;
	(pc) =	sbr.rel @!p1 .LBB2_4-.Ltmp1, $4  }
0x24: {  	s30 =	sand.u32 $0xFFFFFC00, s20;
	s31 =	sand.u32 $0x380, s20;
	[sflag:s17] =	ssyncadd.s32 $0xFFFFC000  }
0x25: {  	[spmem:s3] =	stream.indirect.scatter.add.f32 [tilespmem:s16], [sflag:$0x2], $0x80, s15, s15, $0xb8;
	[tilespmem:$0x17D00] =	vst v63  }
0x26: {  	p0 =	por $0x1, $0x1;
	s21 =	sadd.s32 s10, s30;
	_ =	swait.ge [sflag:s14], $0x4000  }
0x27: {  	s21 =	sor.u32 s31, s21;
	s19 =	simm.s32 $0x100;
	[sflag:s14] =	ssyncset.done $0x0  }
.LBB2_3:
0x28: {  	s20 =	sshrl.u32 s21, $0x3  }
0x29: {  	[sflag:s14] =	ssyncadd.s32 $0xFFFFC000;
	s21 =	smov.u32 s19;
	s19 =	sadd.s32 $0x80, s19  }
0x2a: {  	p1 =	sne.s32 s8, s19;
	s22 =	sadd.s32 s5, s20  }
0x2b: {  	[tilespmem:s4], [sflag:$0x2] =	stream.linear.gather [hbm4b:s22+s4], $0x80, $0x38;
	[tilespmem:$0x17D00] =	vst v63  }
0x2c: {  	_ =	swait.ge [sflag:s14], $0x80  }
0x2d: {  	[sflag:s14] =	ssyncset.done $0x0  }
0x2e: {  	s20 =	sadd.s32 s6, s20;
	[sflag:s14] =	ssyncadd.s32 $0xFFFFFF80  }
0x2f: {  	[tilespmem:s15], [sflag:$0x2] =	stream.linear.gather [hbm4b:s20+s4], $0x80, $0x38;
	[tilespmem:$0x17D00] =	vst v63  }
0x30: {  	_ =	swait.ge [sflag:s14], $0x80  }
0x31: {  	[sflag:s14] =	ssyncset.done $0x0  }
0x32: {  	[sflag:s14] =	ssyncadd.s32 $0xFFFFFF80  }
0x33: {  	[tilespmem:s16], [sflag:$0x1] =	stream.indirect.gather [hbm4b:s0+s15], $0x80, s4, s15, $0xb8;
	[tilespmem:$0x17D00] =	vst v63  }
0x34: {  	_ =	swait.ge [sflag:s17], $0x4000  }
.Ltmp2:
0x35: {  	[sflag:s17] =	ssyncset.done $0x0;
	(pc) =	sbr.rel @p1 .LBB2_3-.Ltmp2, $4  }
0x36: {  	s20 =	sand.u32 $0xFFFFFC00, s21;
	[sflag:s17] =	ssyncadd.s32 $0xFFFFC000  }
0x37: {  	[spmem:s3] =	stream.indirect.scatter.add.f32 [tilespmem:s16], [sflag:$0x2], $0x80, s15, s15, $0xb8;
	[tilespmem:$0x17D00] =	vst v63  }
0x38: {  	s21 =	sand.u32 $0x380, s21;
	s20 =	sadd.s32 s10, s20;
	_ =	swait.ge [sflag:s14], $0x4000  }
0x39: {  	s21 =	sor.u32 s21, s20;
	[sflag:s14] =	ssyncset.done $0x0  }
.LBB2_4:
0x3a: {  	s19 =	sshrl.u32 s21, $0x3  }
0x3b: {  	[sflag:s14] =	ssyncadd.s32 @p0 $0xFFFFC000;
	s20 =	sadd.s32 s5, s19  }
0x3c: {  	[tilespmem:s4], [sflag:$0x2] =	stream.linear.gather [hbm4b:s20+s4], $0x80, $0x38;
	[tilespmem:$0x17D00] =	vst v63  }
0x3d: {  	_ =	swait.ge [sflag:s14], $0x80  }
0x3e: {  	[sflag:s14] =	ssyncset.done $0x0  }
0x3f: {  	s19 =	sadd.s32 s6, s19;
	[sflag:s14] =	ssyncadd.s32 $0xFFFFFF80  }
0x40: {  	[tilespmem:s15], [sflag:$0x2] =	stream.linear.gather [hbm4b:s19+s4], $0x80, $0x38;
	[tilespmem:$0x17D00] =	vst v63  }
0x41: {  	_ =	swait.ge [sflag:s14], $0x80  }
0x42: {  	[sflag:s14] =	ssyncset.done $0x0  }
0x43: {  	[sflag:s14] =	ssyncadd.s32 $0xFFFFFF80  }
0x44: {  	[tilespmem:s16], [sflag:$0x1] =	stream.indirect.gather [hbm4b:s0+s15], $0x80, s4, s15, $0xb8;
	[tilespmem:$0x17D00] =	vst v63  }
0x45: {  	_ =	swait.ge [sflag:s17], $0x4000  }
0x46: {  	[sflag:s17] =	ssyncset.done $0x0  }
0x47: {  	[sflag:s17] =	ssyncadd.s32 $0xFFFFC000  }
0x48: {  	[spmem:s3] =	stream.indirect.scatter.add.f32 [tilespmem:s16], [sflag:$0x2], $0x80, s15, s15, $0xb8;
	[tilespmem:$0x17D00] =	vst v63  }
0x49: {  	_ =	swait.ge [sflag:s14], $0x4000  }
0x4a: {  	s18 =	sadd.s32 $0x1, s18;
	[sflag:s14] =	ssyncset.done $0x0  }
0x4b: {  	p0 =	sne.s32 s18, s12;
	[sflag:s14] =	ssyncadd.s32 $0xFFFFC000  }
.Ltmp3:
0x4c: {  	[bflag:$0x0] =	sbarrier.arrive $0xFFFF;
	(pc) =	sbr.rel @p0 .LBB2_1-.Ltmp3, $4  }
0x4d: {  	[hbm:s11], [sflag:s9] =	dma.local [spmem:s13], $0x2780  }
0x4e: {  	_ =	swait.ge [sflag:s14], $0x2780  }
0x4f: {  	[sflag:s14] =	ssyncset.done $0x0  }
0x50: {  	[sflag:s14] =	ssyncadd.s32 $0xFFFFD880  }
0x51: {  	_ =	sfence.sel $0x180000  }
0x52: {  	[bflag:$0x0] =	sbarrier.arrive $0xFFFF  }
0x53: {  	p0 =	sne.s32 s2, $0x0;
	_ =	strace $0x9000004A  }
0x54: {  	s0 =	sadd.s32 @!p0 $0x100000, s1;
	[bflag:$0x2] =	sbarrier.arrive $0xFFFF  }
0x55: {  	[sflag:s0] =	ssyncadd.tile.s32 @!p0 $0x1;
	_ =	shalt  }
.Lfunc_end2:
_tile_overlayer_lowered:
.L_overlay_start_2:
0x56: {  	(tag) =	ssettag $0x2  }
0x57: {  	s0 =	rddreg [dreg:$0x0];
	s2 =	stileid.u32  }
0x58: {  	s1 =	rddreg [dreg:$0x1];
	p0 =	sne.s32 s2, $0x0  }
0x59: {  	s3 =	rddreg [dreg:$0x2];
	[bflag:$0x3] =	sbarrier.arrive $0xFFFF;
	s2 =	simm.s32 @!p0 $0x1C02  }
0x5a: {  	[timem:s3], [sflag:s2] =	dma.local @!p0 [hbm:s0], s1  }
0x5b: {  	s0 =	simm.s32 @!p0 $0x2  }
0x5c: {  	_ =	swait.ge @!p0 [sflag:s0], s1  }
0x5d: {  	s1 =	ssub.s32 @!p0 $0x0, s1;
	[sflag:s0] =	ssyncset.done @!p0 $0x0  }
0x5e: {  	[sflag:s0] =	ssyncadd.s32 @!p0 s1  }
0x5f: {  	[bflag:$0x3] =	sbarrier.arrive $0xFFFF  }
0x60: {  	_ =	shalt  }

// kernel: kernel.14.cloned.1.call-start
scs
__scs_entry_jumppad:
0x0: {  	(pc) =	sbr.rel $0x88, $3  }
0x1: {  	(tag) =	ssettag $0x0;
	lr =	simm.s32 $0x1  }
0x2: {  	[smem:$0x3F9B] =	sst lr;
	_ =	strace $0xD0000000  }
0x3: {  	_ = 	snop  }
0x4: {  	_ = 	snop  }
0x5: {  	_ = 	snop  }
0x6: {  	_ = 	snop  }
0x7: {  	_ = 	snop  }
__scs_overlays_trampoline_lowered:
0x8: {  	[smem:$0x3FAA] =	sst s0  }
0x9: {  	[smem:$0x3FAB] =	sst s1  }
0xa: {  	[smem:$0x3FAC] =	sst s2  }
0xb: {  	[smem:$0x3FAD] =	sst s3  }
0xc: {  	[smem:$0x3FAE] =	sst s4  }
0xd: {  	[smem:$0x3FAF] =	sst s5  }
0xe: {  	[smem:$0x3FB0] =	sst s6  }
0xf: {  	[smem:$0x3FB1] =	sst s7  }
0x10: {  	[smem:$0x3FB2] =	sst s8  }
0x11: {  	[smem:$0x3FB3] =	sst s9;
	s0 =	simm.s32 @!p0 $0x0  }
0x12: {  	s1 =	sld [smem:$0x3F99];
	s0 =	simm.s32 @p0 $0x1  }
0x13: {  	[smem:$0x3FB4] =	sst s0;
	s0 =	simm.s32 @!p1 $0x0  }
0x14: {  	s2 =	sld [smem:$0x3F98];
	s0 =	simm.s32 @p1 $0x1  }
0x15: {  	[smem:$0x3FB5] =	sst s0;
	s0 =	simm.s32 @!p2 $0x0  }
0x16: {  	s3 =	sld [smem:$0x3FDB];
	s0 =	simm.s32 @p2 $0x1  }
0x17: {  	s4 =	simm.s32 $0x1BF5;
	[smem:$0x3FB7] =	sst s0  }
0x18: {  	s0 =	sld [smem:$0x3F9A];
	_ =	swait.ge [sflag:s4], $0x0  }
0x19: {  	s7 =	sld [smem:$0x3F9B]  }
0x1a: {  	s8 =	sadd.s32 $0xFFFFE003, lr  }
0x1b: {  	s9 =	sadd.s32 $0xFFFFFEF7, lr;
	s5 =	simm.s32 $0xFFFFFFFF;
	p2 =	slt.u32 s8, $0xFFFFF086  }
0x1c: {  	p1 =	slt.u32 s9, $0xF7A;
	s5 =	simm.s32 @!p2 $0x0  }
0x1d: {  	s5 =	simm.s32 @p1 $0x1;
	p0 =	seq.s32 s7, s2  }
0x1e: {  	s7 =	smul.u32 @!p0 $0xF7A, s2;
	p2 =	seq.s32 @!p0 s5, $0x0  }
0x1f: {  	s9 =	smul.u32 $0xF7A, s1;
	s8 =	simm.s32 @!p0 $0x1BF5;
	p2 =	por !p2, p0  }
0x20: {  	[sflag:s8] =	ssyncset.s32 @!p0 $0xFFFFF086;
	s6 =	sadd.s32 @!p0 s3, s7;
	s7 =	simm.s32 @!p0 $0x108  }
0x21: {  	s3 =	sadd.s32 s3, s9;
	s6 =	sadd.s32 @!p0 $0x88, s6;
	s7 =	simm.s32 @p2 $0x1082  }
0x22: {  	[simem:s7], [sflag:s8] =	dma.local @!p0 [hbm:s6], $0xF7A  }
0x23: {  	s9 =	sor.u32 $0xD0000000, s2;
	s6 =	simm.s32 $0x108;
	_ =	swait.ge @!p0 [sflag:s8], $0x0  }
0x24: {  	s3 =	sadd.s32 $0x88, s3;
	s6 =	simm.s32 @!p1 $0x1082;
	[sflag:s4] =	ssyncset.s32 $0xFFFFF086  }
0x25: {  	[simem:s6], [sflag:s4] =	dma.local [hbm:s3], $0xF7A  }
0x26: {  	[smem:$0x3F9B] =	sst s1;
	(tag) =	ssettag s2;
	_ =	strace s9  }
0x27: {  	s1 =	sld [smem:$0x3FAB]  }
0x28: {  	s2 =	sld [smem:$0x3FAC]  }
0x29: {  	s4 =	sld [smem:$0x3FAE]  }
0x2a: {  	p0 =	seq.s32 s5, $0x0;
	s5 =	sld [smem:$0x3FAF]  }
0x2b: {  	s6 =	sld [smem:$0x3FB0]  }
0x2c: {  	s7 =	sld [smem:$0x3FB1]  }
0x2d: {  	s3 =	simm.s32 $0x108;
	s8 =	sld [smem:$0x3FB2]  }
0x2e: {  	s3 =	simm.s32 @!p0 $0x1082;
	s9 =	sld [smem:$0x3FB3]  }
0x2f: {  	lr =	sadd.s32 s0, s3;
	s0 =	sld [smem:$0x3FAA]  }
0x30: {  	s3 =	sld [smem:$0x3FAD]  }
0x31: {  	[smem:$0x3FB6] =	sst s10  }
0x32: {  	s10 =	sld [smem:$0x3FB4];
	_ =	sdelay $0x3  }
0x33: {  	p0 =	seq.s32 s10, $0x1;
	s10 =	sld [smem:$0x3FB6];
	_ =	sdelay $0x3  }
0x34: {  	[smem:$0x3FB6] =	sst s10  }
0x35: {  	s10 =	sld [smem:$0x3FB5];
	_ =	sdelay $0x3  }
0x36: {  	p1 =	seq.s32 s10, $0x1;
	s10 =	sld [smem:$0x3FB6];
	_ =	sdelay $0x3  }
0x37: {  	[smem:$0x3FB6] =	sst s10  }
0x38: {  	s10 =	sld [smem:$0x3FB7]  }
0x39: {  	_ = 	snop;
	(pc) =	sbr.ind lr, $3  }
0x3a: {  	_ = 	snop  }
0x3b: {  	_ = 	snop  }
0x3c: {  	p2 =	seq.s32 s10, $0x1;
	s10 =	sld [smem:$0x3FB6]  }
0x3d: {  	_ =	shalt  }
0x3e: {  	_ =	shalt  }
0x3f: {  	_ =	shalt  }
0x40: {  	_ =	shalt  }
0x41: {  	_ =	shalt  }
0x42: {  	_ =	shalt  }
0x43: {  	_ =	shalt  }
0x44: {  	_ =	shalt  }
0x45: {  	_ =	shalt  }
0x46: {  	_ =	shalt  }
0x47: {  	_ =	shalt  }
0x48: {  	_ =	shalt  }
0x49: {  	_ =	shalt  }
0x4a: {  	_ =	shalt  }
0x4b: {  	_ =	shalt  }
0x4c: {  	_ =	shalt  }
0x4d: {  	_ =	shalt  }
0x4e: {  	_ =	shalt  }
0x4f: {  	_ =	shalt  }
0x50: {  	_ =	shalt  }
0x51: {  	_ =	shalt  }
0x52: {  	_ =	shalt  }
0x53: {  	_ =	shalt  }
0x54: {  	_ =	shalt  }
0x55: {  	_ =	shalt  }
0x56: {  	_ =	shalt  }
0x57: {  	_ =	shalt  }
0x58: {  	_ =	shalt  }
0x59: {  	_ =	shalt  }
0x5a: {  	_ =	shalt  }
0x5b: {  	_ =	shalt  }
0x5c: {  	_ =	shalt  }
0x5d: {  	_ =	shalt  }
0x5e: {  	_ =	shalt  }
0x5f: {  	_ =	shalt  }
0x60: {  	_ =	shalt  }
0x61: {  	_ =	shalt  }
0x62: {  	_ =	shalt  }
0x63: {  	_ =	shalt  }
0x64: {  	_ =	shalt  }
0x65: {  	_ =	shalt  }
0x66: {  	_ =	shalt  }
0x67: {  	_ =	shalt  }
0x68: {  	_ =	shalt  }
0x69: {  	_ =	shalt  }
0x6a: {  	_ =	shalt  }
0x6b: {  	_ =	shalt  }
0x6c: {  	_ =	shalt  }
0x6d: {  	_ =	shalt  }
0x6e: {  	_ =	shalt  }
0x6f: {  	_ =	shalt  }
0x70: {  	_ =	shalt  }
0x71: {  	_ =	shalt  }
0x72: {  	_ =	shalt  }
0x73: {  	_ =	shalt  }
0x74: {  	_ =	shalt  }
0x75: {  	_ =	shalt  }
0x76: {  	_ =	shalt  }
0x77: {  	_ =	shalt  }
0x78: {  	_ =	shalt  }
0x79: {  	_ =	shalt  }
0x7a: {  	_ =	shalt  }
0x7b: {  	_ =	shalt  }
0x7c: {  	_ =	shalt  }
0x7d: {  	_ =	shalt  }
0x7e: {  	_ =	shalt  }
0x7f: {  	_ =	shalt  }
0x80: {  	_ =	shalt  }
0x81: {  	_ =	shalt  }
0x82: {  	_ =	shalt  }
0x83: {  	_ =	shalt  }
0x84: {  	_ =	shalt  }
0x85: {  	_ =	shalt  }
0x86: {  	_ =	shalt  }
0x87: {  	_ =	shalt  }
.Lfunc_end0:
.L_simem_size_0:
called_computation.2_lowered:
.L_overlay_start_0:
0x88: {  	s2 =	sld [smem:$0x3FD9]  }
0x89: {  	s3 =	sld [smem:$0x3FFE];
	_ =	sdelay $0x1  }
0x8a: {  	s1 =	srdreg.scid  }
0x8b: {  	s0 =	sand.u32 $0x1, s1  }
0x8c: {  	s17 =	sshll.u32 s0, $0xA;
	s2 =	sadd.s32 s3, s2  }
0x8d: {  	s2 =	sadd.s32 s2, s17  }
0x8e: {  	[smem:$0x3FC2] =	sst s2  }
0x8f: {  	_ = 	snop  }
0x90: {  	s2 =	sld [smem:$0x3FD0];
	(tm) =	ssettm $0x1  }
0x91: {  	s18 =	sld [smem:$0x3FFB];
	_ =	sdelay $0x3  }
0x92: {  	_ =	strace s18  }
0x93: {  	s3 =	sld [smem:$0x3FFC];
	_ =	sdelay $0x3  }
0x94: {  	_ =	strace s3  }
0x95: {  	s3 =	sld [smem:$0x3FFD];
	_ =	sdelay $0x3  }
0x96: {  	_ =	strace s3  }
0x97: {  	_ =	strace $0x8FFFFFFF  }
0x98: {  	s19 =	sld [smem:$0x3FDB];
	_ =	sdelay $0x1  }
0x99: {  	s4 =	simm.s32 $_scs_section_size  }
0x9a: {  	s5 =	simm.s32 $_size__tile_overlayer_lowered;
	s6 =	simm.s32 $_tile_overlayer_lowered  }
0x9b: {  	s22 =	simm.s32 $0x1BFF;
	s21 =	sshll.u32 s6, $0x1;
	s3 =	sadd.s32 s4, s19  }
0x9c: {  	s7 =	simm.s32 $0x0;
	s20 =	sshll.u32 s5, $0x1;
	s5 =	sadd.s32 s21, s3  }
0x9d: {  	[timem:s7], [sflag:s22] =	dma.local [hbm:s5], s20  }
0x9e: {  	_ =	swait.ge [sflag:s22], s20  }
0x9f: {  	s4 =	ssub.s32 $0x0, s20;
	[sflag:s22] =	ssyncset.done $0x0  }
0xa0: {  	[sflag:s22] =	ssyncadd.s32 s4;
	_ =	sdelay $0x1  }
0xa1: {  	s23 =	simm.s32 $0x1B8B  }
0xa2: {  	_ =	swait.ge [sflag:s23], $0x1  }
0xa3: {  	[sflag:s23] =	ssyncset.done $0x0  }
0xa4: {  	s25 =	simm.s32 $0x1B8E;
	s24 =	sld [smem:$0x3FFE];
	[sflag:s23] =	ssyncadd.s32 $0xFFFFFFFF  }
0xa5: {  	s26 =	simm.s32 $execute0_lowered;
	[smem:$0x3FD2] =	sst s25  }
0xa6: {  	s5 =	sshll.u32 s26, $0x1;
	_ =	strace $0x8000004C;
	[dreg:$0x1] =	wrdreg $0xFFFFFFFF  }
0xa7: {  	s28 =	simm.s32 $_size_execute0_lowered;
	s3 =	sadd.s32 s3, s5;
	[dreg:$0x0] =	wrdreg $0x0  }
0xa8: {  	s5 =	sshll.u32 s28, $0x1;
	[dreg:$0x2] =	wrdreg s3  }
0xa9: {  	[dreg:$0x3] =	wrdreg s5  }
0xaa: {  	[dreg:$0x4] =	wrdreg $0xC0  }
0xab: {  	_ =	task [dreg:s7], $0x5FFFF  }
0xac: {  	[dreg:$0x1] =	wrdreg $0xFFFFFFFF  }
0xad: {  	[dreg:$0x0] =	wrdreg $0x60  }
0xae: {  	[dreg:$0x2] =	wrdreg s2  }
0xaf: {  	[dreg:$0x3] =	wrdreg s24  }
0xb0: {  	[dreg:$0x4] =	wrdreg $0x41000  }
0xb1: {  	[dreg:$0x5] =	wrdreg $0x9  }
0xb2: {  	_ =	task.clear_ibuf [dreg:s7], $0x6FFFF;
	_ =	strace $0x9000004C  }
0xb3: {  	s29 =	simm.s32 $0x9;
	_ =	strace $0x8000004E  }
0xb4: {  	_ =	swait.ge [sflag:s29], $0x1  }
0xb5: {  	[sflag:s29] =	ssyncadd.s32 $0xFFFFFFFF  }
0xb6: {  	_ =	strace $0x9000004E  }
0xb7: {  	_ =	sfence  }
0xb8: {  	s30 =	sld [smem:$0x0];
	_ =	sdelay $0x2  }
0xb9: {  	s31 =	sshll.u32 s1, $0xD;
	s1 =	sshrl.u32 s1, $0x2  }
0xba: {  	s3 =	sand.u32 $0x4000, s31;
	s1 =	sadd.s32 s1, s30  }
0xbb: {  	s0 =	sor.u32 s3, s0;
	s1 =	sshll.u32 s1, $0x11  }
0xbc: {  	s0 =	sor.u32 s1, s0  }
0xbd: {  	s0 =	sadd.s32 $0x8F2B, s0  }
0xbe: {  	[sflag:s0] =	ssyncadd.remote.s32 $0x1  }
0xbf: {  	_ =	sfence.sel $0xFFFF  }
0xc0: {  	[dreg:$0x0] =	wrdreg $0xFFFFFFFF;
	(pc) =	sbr.abs _section_cstart, $3  }
0xc1: {  	[dreg:$0x1] =	wrdreg $0xFFFFFFFF  }
0xc2: {  	_ =	task.clear_ibuf [dreg:s7], $0x2FFFF;
	_ =	strace $0x9FFFFFFF  }
0xc3: {  	(tm) =	ssettm $0x7FFFFFFF  }
tec
execute0_lowered:
.L_overlay_start_1:
0x0: {  	(tag) =	ssettag $0x1  }
0x1: {  	s0 =	rddreg [dreg:$0x0]  }
0x2: {  	s8 =	rddreg [dreg:$0x1]  }
0x3: {  	s1 =	srdreg.scid;
	s3 =	rddreg [dreg:$0x2]  }
0x4: {  	s2 =	stileid.u32;
	s4 =	simm.s32 $0x0;
	s15 =	simm.s32 $0x80  }
0x5: {  	s16 =	simm.s32 $0x100;
	s17 =	simm.s32 $0x1;
	s18 =	simm.s32 $0x0  }
0x6: {  	s9 =	sand.u32 $0x1, s1;
	s1 =	rddreg [dreg:$0x3];
	s6 =	smul.u32 $0x13C00, s2  }
0x7: {  	[smem:$0x7FF] =	sst s4;
	s13 =	smul.u32 $0x4F000, s2;
	s31 =	sshll.u32 s2, $0x6  }
0x8: {  	s5 =	smul.u32 $0x13C000, s9;
	_ =	strace $0x8000004D;
	s26 =	ssub.s32 $0x2, s9  }
0x9: {  	s12 =	sshll.u32 s9, $0x4;
	p0 =	seq.s32 s9, $0x0;
	s9 =	sor.u32 $0x1C02, s31  }
0xa: {  	s28 =	sshrl.u32 s26, $0x1;
	s29 =	sor.u32 s2, s12;
	s30 =	sshrl.u32 s13, $0x2  }
0xb: {  	s7 =	sadd.s32 s6, s5;
	s5 =	sadd.s32 $0xE800, s8;
	s6 =	sadd.s32 $0x2800, s8  }
0xc: {  	s14 =	ssub.s32 s26, s28;
	s13 =	sadd.s32 s30, s3;
	s10 =	sshrl.u32 s7, $0x3  }
0xd: {  	s7 =	sadd.s32 $0x1A800, s8;
	s12 =	smax.u32 s14, $0x1;
	s13 =	sshrl.u32 s13, $0x3  }
0xe: {  	s14 =	simm.s32 $0x2;
	s11 =	sadd.s32 s10, s8;
	s8 =	simm.s32 $0x2F00  }
0xf: {  	s10 =	smul.u32 $0x3000, s29;
	s8 =	simm.s32 @!p0 $0x2000;
	s11 =	sadd.s32 $0x1D000, s11  }
.LBB2_1:
0x10: {  	[spmem:s13], [sflag:s9] =	dma.local [hbm:s7], $0x2780  }
0x11: {  	p1 =	sne.s32 s8, $0x80  }
.Ltmp0:
0x12: {  	_ =	swait.ge [sflag:s14], $0x2780;
	(pc) =	sbr.rel @!p1 .LBB2_4-.Ltmp0, $4  }
0x13: {  	[sflag:s14] =	ssyncset.done $0x0  }
0x14: {  	s19 =	sand.u32 $0xFFFFFC00, s4;
	[sflag:s14] =	ssyncadd.s32 $0xFFFFD880  }
0x15: {  	s21 =	sand.u32 $0x380, s4;
	s19 =	sadd.s32 s10, s19;
	[bflag:$0x0] =	sbarrier.arrive $0xFFFF  }
0x16: {  	s20 =	simm.s32 $0x80;
	p0 =	por $0x0, $0x0;
	s21 =	sor.u32 s21, s19  }
0x17: {  	s19 =	sshrl.u32 s21, $0x3  }
0x18: {  	s21 =	sadd.s32 s5, s19  }
0x19: {  	[tilespmem:s4], [sflag:$0x2] =	stream.linear.gather [hbm4b:s21+s4], $0x80, $0x38;
	[tilespmem:$0x17D00] =	vst v63  }
0x1a: {  	_ =	swait.ge [sflag:s14], $0x80  }
0x1b: {  	[sflag:s14] =	ssyncset.done $0x0  }
0x1c: {  	s19 =	sadd.s32 s6, s19;
	[sflag:s14] =	ssyncadd.s32 $0xFFFFFF80  }
0x1d: {  	[tilespmem:s15], [sflag:$0x2] =	stream.linear.gather [hbm4b:s19+s4], $0x80, $0x38;
	[tilespmem:$0x17D00] =	vst v63  }
0x1e: {  	_ =	swait.ge [sflag:s14], $0x80  }
0x1f: {  	[sflag:s14] =	ssyncset.done $0x0  }
0x20: {  	[sflag:s14] =	ssyncadd.s32 $0xFFFFFF80  }
0x21: {  	[tilespmem:s16], [sflag:$0x1] =	stream.indirect.gather [hbm4b:s0+s15], $0x80, s4, s15, $0xb8;
	[tilespmem:$0x17D00] =	vst v63  }
0x22: {  	p1 =	sne.s32 s8, $0x100;
	_ =	swait.ge [sflag:s17], $0x4000  }
.Ltmp1:
0x23: {  	[sflag:s17] =	ssyncset.done $0x0;
	(pc) =	sbr.rel @!p1 .LBB2_4-.Ltmp1, $4  }
0x24: {  	s30 =	sand.u32 $0xFFFFFC00, s20;
	s31 =	sand.u32 $0x380, s20;
	[sflag:s17] =	ssyncadd.s32 $0xFFFFC000  }
0x25: {  	[spmem:s3] =	stream.indirect.scatter.add.f32 [tilespmem:s16], [sflag:$0x2], $0x80, s15, s15, $0xb8;
	[tilespmem:$0x17D00] =	vst v63  }
0x26: {  	p0 =	por $0x1, $0x1;
	s21 =	sadd.s32 s10, s30;
	_ =	swait.ge [sflag:s14], $0x4000  }
0x27: {  	s21 =	sor.u32 s31, s21;
	s19 =	simm.s32 $0x100;
	[sflag:s14] =	ssyncset.done $0x0  }
.LBB2_3:
0x28: {  	s20 =	sshrl.u32 s21, $0x3  }
0x29: {  	[sflag:s14] =	ssyncadd.s32 $0xFFFFC000;
	s21 =	smov.u32 s19;
	s19 =	sadd.s32 $0x80, s19  }
0x2a: {  	p1 =	sne.s32 s8, s19;
	s22 =	sadd.s32 s5, s20  }
0x2b: {  	[tilespmem:s4], [sflag:$0x2] =	stream.linear.gather [hbm4b:s22+s4], $0x80, $0x38;
	[tilespmem:$0x17D00] =	vst v63  }
0x2c: {  	_ =	swait.ge [sflag:s14], $0x80  }
0x2d: {  	[sflag:s14] =	ssyncset.done $0x0  }
0x2e: {  	s20 =	sadd.s32 s6, s20;
	[sflag:s14] =	ssyncadd.s32 $0xFFFFFF80  }
0x2f: {  	[tilespmem:s15], [sflag:$0x2] =	stream.linear.gather [hbm4b:s20+s4], $0x80, $0x38;
	[tilespmem:$0x17D00] =	vst v63  }
0x30: {  	_ =	swait.ge [sflag:s14], $0x80  }
0x31: {  	[sflag:s14] =	ssyncset.done $0x0  }
0x32: {  	[sflag:s14] =	ssyncadd.s32 $0xFFFFFF80  }
0x33: {  	[tilespmem:s16], [sflag:$0x1] =	stream.indirect.gather [hbm4b:s0+s15], $0x80, s4, s15, $0xb8;
	[tilespmem:$0x17D00] =	vst v63  }
0x34: {  	_ =	swait.ge [sflag:s17], $0x4000  }
.Ltmp2:
0x35: {  	[sflag:s17] =	ssyncset.done $0x0;
	(pc) =	sbr.rel @p1 .LBB2_3-.Ltmp2, $4  }
0x36: {  	s20 =	sand.u32 $0xFFFFFC00, s21;
	[sflag:s17] =	ssyncadd.s32 $0xFFFFC000  }
0x37: {  	[spmem:s3] =	stream.indirect.scatter.add.f32 [tilespmem:s16], [sflag:$0x2], $0x80, s15, s15, $0xb8;
	[tilespmem:$0x17D00] =	vst v63  }
0x38: {  	s21 =	sand.u32 $0x380, s21;
	s20 =	sadd.s32 s10, s20;
	_ =	swait.ge [sflag:s14], $0x4000  }
0x39: {  	s21 =	sor.u32 s21, s20;
	[sflag:s14] =	ssyncset.done $0x0  }
.LBB2_4:
0x3a: {  	s19 =	sshrl.u32 s21, $0x3  }
0x3b: {  	[sflag:s14] =	ssyncadd.s32 @p0 $0xFFFFC000;
	s20 =	sadd.s32 s5, s19  }
0x3c: {  	[tilespmem:s4], [sflag:$0x2] =	stream.linear.gather [hbm4b:s20+s4], $0x80, $0x38;
	[tilespmem:$0x17D00] =	vst v63  }
0x3d: {  	_ =	swait.ge [sflag:s14], $0x80  }
0x3e: {  	[sflag:s14] =	ssyncset.done $0x0  }
0x3f: {  	s19 =	sadd.s32 s6, s19;
	[sflag:s14] =	ssyncadd.s32 $0xFFFFFF80  }
0x40: {  	[tilespmem:s15], [sflag:$0x2] =	stream.linear.gather [hbm4b:s19+s4], $0x80, $0x38;
	[tilespmem:$0x17D00] =	vst v63  }
0x41: {  	_ =	swait.ge [sflag:s14], $0x80  }
0x42: {  	[sflag:s14] =	ssyncset.done $0x0  }
0x43: {  	[sflag:s14] =	ssyncadd.s32 $0xFFFFFF80  }
0x44: {  	[tilespmem:s16], [sflag:$0x1] =	stream.indirect.gather [hbm4b:s0+s15], $0x80, s4, s15, $0xb8;
	[tilespmem:$0x17D00] =	vst v63  }
0x45: {  	_ =	swait.ge [sflag:s17], $0x4000  }
0x46: {  	[sflag:s17] =	ssyncset.done $0x0  }
0x47: {  	[sflag:s17] =	ssyncadd.s32 $0xFFFFC000  }
0x48: {  	[spmem:s3] =	stream.indirect.scatter.add.f32 [tilespmem:s16], [sflag:$0x2], $0x80, s15, s15, $0xb8;
	[tilespmem:$0x17D00] =	vst v63  }
0x49: {  	_ =	swait.ge [sflag:s14], $0x4000  }
0x4a: {  	s18 =	sadd.s32 $0x1, s18;
	[sflag:s14] =	ssyncset.done $0x0  }
0x4b: {  	p0 =	sne.s32 s18, s12;
	[sflag:s14] =	ssyncadd.s32 $0xFFFFC000  }
.Ltmp3:
0x4c: {  	[bflag:$0x0] =	sbarrier.arrive $0xFFFF;
	(pc) =	sbr.rel @p0 .LBB2_1-.Ltmp3, $4  }
0x4d: {  	[hbm:s11], [sflag:s9] =	dma.local [spmem:s13], $0x2780  }
0x4e: {  	_ =	swait.ge [sflag:s14], $0x2780  }
0x4f: {  	[sflag:s14] =	ssyncset.done $0x0  }
0x50: {  	[sflag:s14] =	ssyncadd.s32 $0xFFFFD880  }
0x51: {  	_ =	sfence.sel $0x180000  }
0x52: {  	[bflag:$0x0] =	sbarrier.arrive $0xFFFF  }
0x53: {  	p0 =	sne.s32 s2, $0x0;
	_ =	strace $0x9000004D  }
0x54: {  	s0 =	sadd.s32 @!p0 $0x100000, s1;
	[bflag:$0x2] =	sbarrier.arrive $0xFFFF  }
0x55: {  	[sflag:s0] =	ssyncadd.tile.s32 @!p0 $0x1;
	_ =	shalt  }
.Lfunc_end2:
_tile_overlayer_lowered:
.L_overlay_start_2:
0x56: {  	(tag) =	ssettag $0x2  }
0x57: {  	s0 =	rddreg [dreg:$0x0];
	s2 =	stileid.u32  }
0x58: {  	s1 =	rddreg [dreg:$0x1];
	p0 =	sne.s32 s2, $0x0  }
0x59: {  	s3 =	rddreg [dreg:$0x2];
	[bflag:$0x3] =	sbarrier.arrive $0xFFFF;
	s2 =	simm.s32 @!p0 $0x1C02  }
0x5a: {  	[timem:s3], [sflag:s2] =	dma.local @!p0 [hbm:s0], s1  }
0x5b: {  	s0 =	simm.s32 @!p0 $0x2  }
0x5c: {  	_ =	swait.ge @!p0 [sflag:s0], s1  }
0x5d: {  	s1 =	ssub.s32 @!p0 $0x0, s1;
	[sflag:s0] =	ssyncset.done @!p0 $0x0  }
0x5e: {  	[sflag:s0] =	ssyncadd.s32 @!p0 s1  }
0x5f: {  	[bflag:$0x3] =	sbarrier.arrive $0xFFFF  }
0x60: {  	_ =	shalt  }

// kernel: kernel.8.cloned.1.call-start
scs
__scs_entry_jumppad:
0x0: {  	(pc) =	sbr.rel $0x88, $3  }
0x1: {  	(tag) =	ssettag $0x0;
	lr =	simm.s32 $0x1  }
0x2: {  	[smem:$0x3F9B] =	sst lr;
	_ =	strace $0xD0000000  }
0x3: {  	_ = 	snop  }
0x4: {  	_ = 	snop  }
0x5: {  	_ = 	snop  }
0x6: {  	_ = 	snop  }
0x7: {  	_ = 	snop  }
__scs_overlays_trampoline_lowered:
0x8: {  	[smem:$0x3FAA] =	sst s0  }
0x9: {  	[smem:$0x3FAB] =	sst s1  }
0xa: {  	[smem:$0x3FAC] =	sst s2  }
0xb: {  	[smem:$0x3FAD] =	sst s3  }
0xc: {  	[smem:$0x3FAE] =	sst s4  }
0xd: {  	[smem:$0x3FAF] =	sst s5  }
0xe: {  	[smem:$0x3FB0] =	sst s6  }
0xf: {  	[smem:$0x3FB1] =	sst s7  }
0x10: {  	[smem:$0x3FB2] =	sst s8  }
0x11: {  	[smem:$0x3FB3] =	sst s9;
	s0 =	simm.s32 @!p0 $0x0  }
0x12: {  	s1 =	sld [smem:$0x3F99];
	s0 =	simm.s32 @p0 $0x1  }
0x13: {  	[smem:$0x3FB4] =	sst s0;
	s0 =	simm.s32 @!p1 $0x0  }
0x14: {  	s2 =	sld [smem:$0x3F98];
	s0 =	simm.s32 @p1 $0x1  }
0x15: {  	[smem:$0x3FB5] =	sst s0;
	s0 =	simm.s32 @!p2 $0x0  }
0x16: {  	s3 =	sld [smem:$0x3FDB];
	s0 =	simm.s32 @p2 $0x1  }
0x17: {  	s4 =	simm.s32 $0x1BF5;
	[smem:$0x3FB7] =	sst s0  }
0x18: {  	s0 =	sld [smem:$0x3F9A];
	_ =	swait.ge [sflag:s4], $0x0  }
0x19: {  	s7 =	sld [smem:$0x3F9B]  }
0x1a: {  	s8 =	sadd.s32 $0xFFFFE003, lr  }
0x1b: {  	s9 =	sadd.s32 $0xFFFFFEF7, lr;
	s5 =	simm.s32 $0xFFFFFFFF;
	p2 =	slt.u32 s8, $0xFFFFF086  }
0x1c: {  	p1 =	slt.u32 s9, $0xF7A;
	s5 =	simm.s32 @!p2 $0x0  }
0x1d: {  	s5 =	simm.s32 @p1 $0x1;
	p0 =	seq.s32 s7, s2  }
0x1e: {  	s7 =	smul.u32 @!p0 $0xF7A, s2;
	p2 =	seq.s32 @!p0 s5, $0x0  }
0x1f: {  	s9 =	smul.u32 $0xF7A, s1;
	s8 =	simm.s32 @!p0 $0x1BF5;
	p2 =	por !p2, p0  }
0x20: {  	[sflag:s8] =	ssyncset.s32 @!p0 $0xFFFFF086;
	s6 =	sadd.s32 @!p0 s3, s7;
	s7 =	simm.s32 @!p0 $0x108  }
0x21: {  	s3 =	sadd.s32 s3, s9;
	s6 =	sadd.s32 @!p0 $0x88, s6;
	s7 =	simm.s32 @p2 $0x1082  }
0x22: {  	[simem:s7], [sflag:s8] =	dma.local @!p0 [hbm:s6], $0xF7A  }
0x23: {  	s9 =	sor.u32 $0xD0000000, s2;
	s6 =	simm.s32 $0x108;
	_ =	swait.ge @!p0 [sflag:s8], $0x0  }
0x24: {  	s3 =	sadd.s32 $0x88, s3;
	s6 =	simm.s32 @!p1 $0x1082;
	[sflag:s4] =	ssyncset.s32 $0xFFFFF086  }
0x25: {  	[simem:s6], [sflag:s4] =	dma.local [hbm:s3], $0xF7A  }
0x26: {  	[smem:$0x3F9B] =	sst s1;
	(tag) =	ssettag s2;
	_ =	strace s9  }
0x27: {  	s1 =	sld [smem:$0x3FAB]  }
0x28: {  	s2 =	sld [smem:$0x3FAC]  }
0x29: {  	s4 =	sld [smem:$0x3FAE]  }
0x2a: {  	p0 =	seq.s32 s5, $0x0;
	s5 =	sld [smem:$0x3FAF]  }
0x2b: {  	s6 =	sld [smem:$0x3FB0]  }
0x2c: {  	s7 =	sld [smem:$0x3FB1]  }
0x2d: {  	s3 =	simm.s32 $0x108;
	s8 =	sld [smem:$0x3FB2]  }
0x2e: {  	s3 =	simm.s32 @!p0 $0x1082;
	s9 =	sld [smem:$0x3FB3]  }
0x2f: {  	lr =	sadd.s32 s0, s3;
	s0 =	sld [smem:$0x3FAA]  }
0x30: {  	s3 =	sld [smem:$0x3FAD]  }
0x31: {  	[smem:$0x3FB6] =	sst s10  }
0x32: {  	s10 =	sld [smem:$0x3FB4];
	_ =	sdelay $0x3  }
0x33: {  	p0 =	seq.s32 s10, $0x1;
	s10 =	sld [smem:$0x3FB6];
	_ =	sdelay $0x3  }
0x34: {  	[smem:$0x3FB6] =	sst s10  }
0x35: {  	s10 =	sld [smem:$0x3FB5];
	_ =	sdelay $0x3  }
0x36: {  	p1 =	seq.s32 s10, $0x1;
	s10 =	sld [smem:$0x3FB6];
	_ =	sdelay $0x3  }
0x37: {  	[smem:$0x3FB6] =	sst s10  }
0x38: {  	s10 =	sld [smem:$0x3FB7]  }
0x39: {  	_ = 	snop;
	(pc) =	sbr.ind lr, $3  }
0x3a: {  	_ = 	snop  }
0x3b: {  	_ = 	snop  }
0x3c: {  	p2 =	seq.s32 s10, $0x1;
	s10 =	sld [smem:$0x3FB6]  }
0x3d: {  	_ =	shalt  }
0x3e: {  	_ =	shalt  }
0x3f: {  	_ =	shalt  }
0x40: {  	_ =	shalt  }
0x41: {  	_ =	shalt  }
0x42: {  	_ =	shalt  }
0x43: {  	_ =	shalt  }
0x44: {  	_ =	shalt  }
0x45: {  	_ =	shalt  }
0x46: {  	_ =	shalt  }
0x47: {  	_ =	shalt  }
0x48: {  	_ =	shalt  }
0x49: {  	_ =	shalt  }
0x4a: {  	_ =	shalt  }
0x4b: {  	_ =	shalt  }
0x4c: {  	_ =	shalt  }
0x4d: {  	_ =	shalt  }
0x4e: {  	_ =	shalt  }
0x4f: {  	_ =	shalt  }
0x50: {  	_ =	shalt  }
0x51: {  	_ =	shalt  }
0x52: {  	_ =	shalt  }
0x53: {  	_ =	shalt  }
0x54: {  	_ =	shalt  }
0x55: {  	_ =	shalt  }
0x56: {  	_ =	shalt  }
0x57: {  	_ =	shalt  }
0x58: {  	_ =	shalt  }
0x59: {  	_ =	shalt  }
0x5a: {  	_ =	shalt  }
0x5b: {  	_ =	shalt  }
0x5c: {  	_ =	shalt  }
0x5d: {  	_ =	shalt  }
0x5e: {  	_ =	shalt  }
0x5f: {  	_ =	shalt  }
0x60: {  	_ =	shalt  }
0x61: {  	_ =	shalt  }
0x62: {  	_ =	shalt  }
0x63: {  	_ =	shalt  }
0x64: {  	_ =	shalt  }
0x65: {  	_ =	shalt  }
0x66: {  	_ =	shalt  }
0x67: {  	_ =	shalt  }
0x68: {  	_ =	shalt  }
0x69: {  	_ =	shalt  }
0x6a: {  	_ =	shalt  }
0x6b: {  	_ =	shalt  }
0x6c: {  	_ =	shalt  }
0x6d: {  	_ =	shalt  }
0x6e: {  	_ =	shalt  }
0x6f: {  	_ =	shalt  }
0x70: {  	_ =	shalt  }
0x71: {  	_ =	shalt  }
0x72: {  	_ =	shalt  }
0x73: {  	_ =	shalt  }
0x74: {  	_ =	shalt  }
0x75: {  	_ =	shalt  }
0x76: {  	_ =	shalt  }
0x77: {  	_ =	shalt  }
0x78: {  	_ =	shalt  }
0x79: {  	_ =	shalt  }
0x7a: {  	_ =	shalt  }
0x7b: {  	_ =	shalt  }
0x7c: {  	_ =	shalt  }
0x7d: {  	_ =	shalt  }
0x7e: {  	_ =	shalt  }
0x7f: {  	_ =	shalt  }
0x80: {  	_ =	shalt  }
0x81: {  	_ =	shalt  }
0x82: {  	_ =	shalt  }
0x83: {  	_ =	shalt  }
0x84: {  	_ =	shalt  }
0x85: {  	_ =	shalt  }
0x86: {  	_ =	shalt  }
0x87: {  	_ =	shalt  }
.Lfunc_end0:
.L_simem_size_0:
called_computation_lowered:
.L_overlay_start_0:
0x88: {  	s2 =	sld [smem:$0x3FD9]  }
0x89: {  	s3 =	sld [smem:$0x3FFE];
	_ =	sdelay $0x1  }
0x8a: {  	s1 =	srdreg.scid  }
0x8b: {  	s0 =	sand.u32 $0x1, s1  }
0x8c: {  	s17 =	sshll.u32 s0, $0xA;
	s2 =	sadd.s32 s3, s2  }
0x8d: {  	s2 =	sadd.s32 s2, s17  }
0x8e: {  	[smem:$0x3FC2] =	sst s2  }
0x8f: {  	_ = 	snop  }
0x90: {  	s2 =	sld [smem:$0x3FD0];
	(tm) =	ssettm $0x1  }
0x91: {  	s18 =	sld [smem:$0x3FFB];
	_ =	sdelay $0x3  }
0x92: {  	_ =	strace s18  }
0x93: {  	s3 =	sld [smem:$0x3FFC];
	_ =	sdelay $0x3  }
0x94: {  	_ =	strace s3  }
0x95: {  	s3 =	sld [smem:$0x3FFD];
	_ =	sdelay $0x3  }
0x96: {  	_ =	strace s3  }
0x97: {  	_ =	strace $0x8FFFFFFF  }
0x98: {  	s19 =	sld [smem:$0x3FDB];
	_ =	sdelay $0x1  }
0x99: {  	s4 =	simm.s32 $_scs_section_size  }
0x9a: {  	s5 =	simm.s32 $_size__tile_overlayer_lowered;
	s6 =	simm.s32 $_tile_overlayer_lowered  }
0x9b: {  	s22 =	simm.s32 $0x1BFF;
	s21 =	sshll.u32 s6, $0x1;
	s3 =	sadd.s32 s4, s19  }
0x9c: {  	s7 =	simm.s32 $0x0;
	s20 =	sshll.u32 s5, $0x1;
	s5 =	sadd.s32 s21, s3  }
0x9d: {  	[timem:s7], [sflag:s22] =	dma.local [hbm:s5], s20  }
0x9e: {  	_ =	swait.ge [sflag:s22], s20  }
0x9f: {  	s4 =	ssub.s32 $0x0, s20;
	[sflag:s22] =	ssyncset.done $0x0  }
0xa0: {  	[sflag:s22] =	ssyncadd.s32 s4;
	_ =	sdelay $0x1  }
0xa1: {  	s23 =	simm.s32 $0x1B8B  }
0xa2: {  	_ =	swait.ge [sflag:s23], $0x1  }
0xa3: {  	[sflag:s23] =	ssyncset.done $0x0  }
0xa4: {  	s25 =	simm.s32 $0x1B8E;
	s24 =	sld [smem:$0x3FFE];
	[sflag:s23] =	ssyncadd.s32 $0xFFFFFFFF  }
0xa5: {  	s26 =	simm.s32 $execute0_lowered;
	[smem:$0x3FD2] =	sst s25  }
0xa6: {  	s5 =	sshll.u32 s26, $0x1;
	_ =	strace $0x80000046;
	[dreg:$0x1] =	wrdreg $0xFFFFFFFF  }
0xa7: {  	s28 =	simm.s32 $_size_execute0_lowered;
	s3 =	sadd.s32 s3, s5;
	[dreg:$0x0] =	wrdreg $0x0  }
0xa8: {  	s5 =	sshll.u32 s28, $0x1;
	[dreg:$0x2] =	wrdreg s3  }
0xa9: {  	[dreg:$0x3] =	wrdreg s5  }
0xaa: {  	[dreg:$0x4] =	wrdreg $0xC0  }
0xab: {  	_ =	task [dreg:s7], $0x5FFFF  }
0xac: {  	[dreg:$0x1] =	wrdreg $0xFFFFFFFF  }
0xad: {  	[dreg:$0x0] =	wrdreg $0x60  }
0xae: {  	[dreg:$0x2] =	wrdreg s2  }
0xaf: {  	[dreg:$0x3] =	wrdreg s24  }
0xb0: {  	[dreg:$0x4] =	wrdreg $0x7A000  }
0xb1: {  	[dreg:$0x5] =	wrdreg $0x9  }
0xb2: {  	_ =	task.clear_ibuf [dreg:s7], $0x6FFFF;
	_ =	strace $0x90000046  }
0xb3: {  	s29 =	simm.s32 $0x9;
	_ =	strace $0x80000048  }
0xb4: {  	_ =	swait.ge [sflag:s29], $0x1  }
0xb5: {  	[sflag:s29] =	ssyncadd.s32 $0xFFFFFFFF  }
0xb6: {  	_ =	strace $0x90000048  }
0xb7: {  	_ =	sfence  }
0xb8: {  	s30 =	sld [smem:$0x0];
	_ =	sdelay $0x2  }
0xb9: {  	s31 =	sshll.u32 s1, $0xD;
	s1 =	sshrl.u32 s1, $0x2  }
0xba: {  	s3 =	sand.u32 $0x4000, s31;
	s1 =	sadd.s32 s1, s30  }
0xbb: {  	s0 =	sor.u32 s3, s0;
	s1 =	sshll.u32 s1, $0x11  }
0xbc: {  	s0 =	sor.u32 s1, s0  }
0xbd: {  	s0 =	sadd.s32 $0x8F2B, s0  }
0xbe: {  	[sflag:s0] =	ssyncadd.remote.s32 $0x1  }
0xbf: {  	_ =	sfence.sel $0xFFFF  }
0xc0: {  	[dreg:$0x0] =	wrdreg $0xFFFFFFFF;
	(pc) =	sbr.abs _section_cstart, $3  }
0xc1: {  	[dreg:$0x1] =	wrdreg $0xFFFFFFFF  }
0xc2: {  	_ =	task.clear_ibuf [dreg:s7], $0x2FFFF;
	_ =	strace $0x9FFFFFFF  }
0xc3: {  	(tm) =	ssettm $0x7FFFFFFF  }
tec
execute0_lowered:
.L_overlay_start_1:
0x0: {  	(tag) =	ssettag $0x1  }
0x1: {  	s3 =	rddreg [dreg:$0x0]  }
0x2: {  	s4 =	rddreg [dreg:$0x1]  }
0x3: {  	s5 =	rddreg [dreg:$0x2];
	s2 =	srdreg.scid  }
0x4: {  	s0 =	rddreg [dreg:$0x3];
	s1 =	stileid.u32;
	s13 =	simm.s32 $0x14000  }
0x5: {  	s14 =	simm.s32 $0x4F80;
	s15 =	simm.s32 $0x100;
	s16 =	simm.s32 $0x7780  }
0x6: {  	s6 =	sand.u32 $0x1, s2;
	s2 =	simm.s32 $0x0;
	s7 =	smul.u32 $0x500, s1  }
0x7: {  	s26 =	sshrl.u32 s1, $0x3;
	s10 =	sshll.u32 s1, $0x7;
	s11 =	smul.u32 $0x5000, s1  }
0x8: {  	s8 =	sshll.u32 s6, $0x4;
	[smem:$0x7FF] =	sst s2;
	s9 =	sshll.u32 s6, $0x7  }
0x9: {  	s6 =	ssub.s32 $0x2, s6;
	s10 =	sand.u32 $0x380, s10;
	s8 =	sor.u32 s1, s8  }
0xa: {  	_ =	strace $0x80000047;
	s7 =	sor.u32 s9, s7;
	s9 =	smul.u32 $0x50000, s26  }
0xb: {  	s28 =	sshrl.u32 s6, $0x1;
	s31 =	sshrl.u32 s11, $0x2;
	s11 =	simm.s32 $0x2780  }
0xc: {  	s8 =	sshrl.u32 s8, $0x3;
	s7 =	sshrl.u32 s7, $0x3;
	s12 =	ssub.s32 s6, s28  }
0xd: {  	s8 =	smul.u32 $0x13C00, s8;
	s7 =	sadd.s32 s7, s4;
	s9 =	sshrl.u32 s9, $0x2  }
0xe: {  	s30 =	sadd.s32 s9, s5;
	s5 =	sadd.s32 s31, s5;
	s6 =	sadd.s32 $0x1E00, s7  }
0xf: {  	s7 =	smax.u32 s12, $0x1;
	s9 =	simm.s32 $0x400;
	s8 =	sor.u32 s10, s8  }
0x10: {  	s12 =	simm.s32 $0x1400;
	s4 =	sadd.s32 s10, s30;
	s29 =	sshrl.u32 s8, $0x3  }
0x11: {  	v0 =	vimm.f32 $0.0e+00;
	v1 =	vimm.f32 $1.000000000e+00;
	s10 =	simm.s32 $0x1;
	s8 =	simm.s32 $0x80;
	s3 =	sadd.s32 s3, s29  }
.LBB2_1:
0x12: {  	s17 =	simm.s32 $0x40;
	s18 =	simm.s32 $0x0  }
.LBB2_2:
0x13: {  	p0 =	sne.s32 s17, $0x9FC0;
	[tilespmem:s18+$0x2780] =	vst v0;
	s18 =	smov.u32 s17;
	s17 =	sadd.s32 $0x40, s17  }
.Ltmp0:
0x14: {  	(pc) =	sbr.rel @p0 .LBB2_2-.Ltmp0, $2  }
0x15: {  	_ =	sdelay $0x2  }
0x16: {  	s18 =	sshra.s32 s18, $0x2  }
0x17: {  	[tilespmem:s18+$0x2780] =	vst v0;
	s17 =	simm.s32 $0x0  }
0x18: {  	[tilespmem:s17], [sflag:$0x1] =	stream.strided.gather [hbm4b:s3+s8], $0x2780, s9, s8, $0x38;
	[tilespmem:$0xA200] =	vst v63  }
0x19: {  	_ =	swait.ge [sflag:s10], $0x2780  }
0x1a: {  	[sflag:s10] =	ssyncset.done $0x0  }
0x1b: {  	s18 =	simm.s32 $0x0;
	s17 =	simm.s32 $0x40;
	[sflag:s10] =	ssyncadd.s32 $0xFFFFD880  }
.LBB2_4:
0x1c: {  	p0 =	sne.s32 s17, $0x9DC0;
	v2 =	vld [tilespmem:s18+$0x0];
	_ =	sdelay $0x3  }
.Ltmp1:
0x1d: {  	(pc) =	sbr.rel @p0 .LBB2_4-.Ltmp1, $2  }
0x1e: {  	_ =	sdelay $0x2  }
0x1f: {  	s18 =	sshra.s32 s17, $0x2;
	s17 =	sadd.s32 $0x40, s17;
	[tilespmem:v2+s11+$0x0] =	vst.idx.add.f32.msk $0xffff, v1  }
0x20: {  	v2 =	vld [tilespmem:s18+$0x0];
	_ =	sdelay $0x7  }
0x21: {  	[tilespmem:v2+s11+$0x0] =	vst.idx.add.f32.msk $0xffff, v1  }
0x22: {  	[spmem:s4] =	stream.strided.scatter [tilespmem:s11], [sflag:$0x1], $0x2800, s9, s8, $0x38;
	[tilespmem:$0xA200] =	vst v63  }
0x23: {  	_ =	swait.ge [sflag:s10], $0x2800  }
0x24: {  	[sflag:s10] =	ssyncset.done $0x0  }
0x25: {  	[sflag:s10] =	ssyncadd.s32 $0xFFFFD800  }
0x26: {  	[bflag:$0x0] =	sbarrier.arrive $0xFFFF  }
0x27: {  	[tilespmem:s14], [sflag:$0x1] =	stream.strided.gather [spmem:s5], $0x2800, s13, s12, $0x38;
	[tilespmem:$0xA200] =	vst v63  }
0x28: {  	s17 =	simm.s32 $0x0;
	_ =	swait.ge [sflag:s10], $0x2800  }
0x29: {  	s30 =	sand.u32 $0x70, s17;
	s17 =	sand.u32 $0x1C00, s17;
	[sflag:s10] =	ssyncset.done $0x0  }
0x2a: {  	s17 =	sor.u32 s30, s17;
	[sflag:s10] =	ssyncadd.s32 $0xFFFFD800  }
0x2b: {  	v2 =	vld [tilespmem:s17+$0x5000]  }
0x2c: {  	v3 =	vld [tilespmem:s17+$0x4F80];
	_ =	sdelay $0x1  }
0x2d: {  	v4 =	vld [tilespmem:s17+$0x5080];
	_ =	sdelay $0x1  }
0x2e: {  	v5 =	vld [tilespmem:s17+$0x5100]  }
0x2f: {  	v2 =	vadd.f32 v2, v3  }
0x30: {  	v3 =	vld [tilespmem:s17+$0x5180]  }
0x31: {  	v2 =	vadd.f32 v4, v2  }
0x32: {  	v56 =	vld [tilespmem:s17+$0x5200]  }
0x33: {  	v2 =	vadd.f32 v5, v2  }
0x34: {  	v57 =	vld [tilespmem:s17+$0x5280]  }
0x35: {  	v2 =	vadd.f32 v3, v2  }
0x36: {  	v3 =	vld [tilespmem:s17+$0x5300]  }
0x37: {  	v2 =	vadd.f32 v56, v2  }
0x38: {  	v58 =	vld [tilespmem:s17+$0x6380]  }
0x39: {  	v2 =	vadd.f32 v57, v2  }
0x3a: {  	v59 =	vld [tilespmem:s17+$0x6400]  }
0x3b: {  	v2 =	vadd.f32 v3, v2  }
0x3c: {  	v3 =	vld [tilespmem:s17+$0x6480]  }
0x3d: {  	v2 =	vadd.f32 v58, v2  }
0x3e: {  	v60 =	vld [tilespmem:s17+$0x6500]  }
0x3f: {  	v2 =	vadd.f32 v59, v2  }
0x40: {  	v61 =	vld [tilespmem:s17+$0x6580]  }
0x41: {  	v2 =	vadd.f32 v3, v2  }
0x42: {  	v3 =	vld [tilespmem:s17+$0x6600]  }
0x43: {  	v2 =	vadd.f32 v60, v2  }
0x44: {  	v62 =	vld [tilespmem:s17+$0x6680]  }
0x45: {  	v2 =	vadd.f32 v61, v2  }
0x46: {  	v63 =	vld [tilespmem:s17+$0x6700]  }
0x47: {  	v2 =	vadd.f32 v3, v2;
	_ =	sdelay $0x1  }
0x48: {  	v2 =	vadd.f32 v62, v2;
	_ =	sdelay $0x1  }
0x49: {  	s31 =	simm.s32 $0x10;
	s19 =	simm.s32 $0x80;
	v2 =	vadd.f32 v63, v2  }
0x4a: {  	s18 =	sand.u32 $0x70, s31;
	s20 =	sand.u32 $0x1C00, s19;
	s17 =	simm.s32 $0x7780  }
0x4b: {  	s18 =	sor.u32 s18, s20;
	s20 =	simm.s32 $0x20;
	[tilespmem:s17+$0x0] =	vst v2  }
.LBB2_6:
0x4c: {  	p0 =	sne.s32 s20, $0x270;
	v2 =	vld [tilespmem:s18+$0x5000]  }
0x4d: {  	v3 =	vld [tilespmem:s18+$0x4F80];
	_ =	sdelay $0x1  }
0x4e: {  	v4 =	vld [tilespmem:s18+$0x5080];
	_ =	sdelay $0x1  }
0x4f: {  	v5 =	vld [tilespmem:s18+$0x5100]  }
0x50: {  	v2 =	vadd.f32 v2, v3  }
0x51: {  	v3 =	vld [tilespmem:s18+$0x5180]  }
0x52: {  	v2 =	vadd.f32 v4, v2  }
0x53: {  	v4 =	vld [tilespmem:s18+$0x5200]  }
0x54: {  	v2 =	vadd.f32 v5, v2  }
0x55: {  	v5 =	vld [tilespmem:s18+$0x5280]  }
0x56: {  	v2 =	vadd.f32 v3, v2  }
0x57: {  	v3 =	vld [tilespmem:s18+$0x5300]  }
0x58: {  	v2 =	vadd.f32 v4, v2  }
0x59: {  	v4 =	vld [tilespmem:s18+$0x6380]  }
0x5a: {  	v2 =	vadd.f32 v5, v2  }
0x5b: {  	v5 =	vld [tilespmem:s18+$0x6400]  }
0x5c: {  	v2 =	vadd.f32 v3, v2  }
0x5d: {  	v3 =	vld [tilespmem:s18+$0x6480]  }
0x5e: {  	v2 =	vadd.f32 v4, v2  }
0x5f: {  	v4 =	vld [tilespmem:s18+$0x6500]  }
0x60: {  	v2 =	vadd.f32 v5, v2  }
0x61: {  	v5 =	vld [tilespmem:s18+$0x6580]  }
0x62: {  	v2 =	vadd.f32 v3, v2  }
0x63: {  	v3 =	vld [tilespmem:s18+$0x6600]  }
0x64: {  	v2 =	vadd.f32 v4, v2  }
0x65: {  	v4 =	vld [tilespmem:s18+$0x6680]  }
0x66: {  	v2 =	vadd.f32 v5, v2  }
0x67: {  	v5 =	vld [tilespmem:s18+$0x6700]  }
0x68: {  	v2 =	vadd.f32 v3, v2;
	_ =	sdelay $0x1  }
.Ltmp2:
0x69: {  	v2 =	vadd.f32 v4, v2;
	(pc) =	sbr.rel @p0 .LBB2_6-.Ltmp2, $4  }
0x6a: {  	_ = 	snop  }
0x6b: {  	s19 =	sadd.s32 $0x80, s19;
	v2 =	vadd.f32 v5, v2  }
0x6c: {  	s17 =	sadd.s32 $0x10, s17;
	s21 =	sand.u32 $0x1C00, s19;
	s18 =	sand.u32 $0x70, s20  }
0x6d: {  	s20 =	sadd.s32 $0x10, s20;
	s18 =	sor.u32 s18, s21;
	[tilespmem:s17+$0x0] =	vst v2  }
0x6e: {  	v2 =	vld [tilespmem:s18+$0x5000]  }
0x6f: {  	v3 =	vld [tilespmem:s18+$0x4F80];
	_ =	sdelay $0x1  }
0x70: {  	v4 =	vld [tilespmem:s18+$0x5080];
	_ =	sdelay $0x1  }
0x71: {  	v5 =	vld [tilespmem:s18+$0x5100]  }
0x72: {  	v2 =	vadd.f32 v2, v3  }
0x73: {  	v3 =	vld [tilespmem:s18+$0x5180]  }
0x74: {  	v2 =	vadd.f32 v4, v2  }
0x75: {  	v56 =	vld [tilespmem:s18+$0x5200]  }
0x76: {  	v2 =	vadd.f32 v5, v2  }
0x77: {  	v57 =	vld [tilespmem:s18+$0x5280]  }
0x78: {  	v2 =	vadd.f32 v3, v2  }
0x79: {  	v3 =	vld [tilespmem:s18+$0x5300]  }
0x7a: {  	v2 =	vadd.f32 v56, v2  }
0x7b: {  	v58 =	vld [tilespmem:s18+$0x6380]  }
0x7c: {  	v2 =	vadd.f32 v57, v2  }
0x7d: {  	v59 =	vld [tilespmem:s18+$0x6400]  }
0x7e: {  	v2 =	vadd.f32 v3, v2  }
0x7f: {  	v3 =	vld [tilespmem:s18+$0x6480]  }
0x80: {  	v2 =	vadd.f32 v58, v2  }
0x81: {  	v60 =	vld [tilespmem:s18+$0x6500]  }
0x82: {  	v2 =	vadd.f32 v59, v2  }
0x83: {  	v61 =	vld [tilespmem:s18+$0x6580]  }
0x84: {  	v2 =	vadd.f32 v3, v2  }
0x85: {  	v3 =	vld [tilespmem:s18+$0x6600]  }
0x86: {  	v2 =	vadd.f32 v60, v2  }
0x87: {  	v62 =	vld [tilespmem:s18+$0x6680]  }
0x88: {  	v2 =	vadd.f32 v61, v2  }
0x89: {  	v63 =	vld [tilespmem:s18+$0x6700]  }
0x8a: {  	v2 =	vadd.f32 v3, v2;
	_ =	sdelay $0x1  }
0x8b: {  	v2 =	vadd.f32 v62, v2;
	_ =	sdelay $0x1  }
0x8c: {  	s2 =	sadd.s32 $0x1, s2;
	v2 =	vadd.f32 v63, v2  }
0x8d: {  	s17 =	sadd.s32 $0x10, s17;
	p0 =	sne.s32 s2, s7  }
.Ltmp3:
0x8e: {  	[tilespmem:s17+$0x0] =	vst v2;
	(pc) =	sbr.rel @p0 .LBB2_1-.Ltmp3, $4  }
0x8f: {  	[hbm4b:s6+s8] =	stream.strided.scatter [tilespmem:s16], [sflag:$0x1], $0x280, s15, s8, $0x38;
	[tilespmem:$0xA200] =	vst v63  }
0x90: {  	_ =	swait.ge [sflag:s10], $0x280  }
0x91: {  	[sflag:s10] =	ssyncset.done $0x0  }
0x92: {  	[sflag:s10] =	ssyncadd.s32 $0xFFFFFD80  }
0x93: {  	_ =	sfence.sel $0x180000  }
0x94: {  	[bflag:$0x0] =	sbarrier.arrive $0xFFFF  }
0x95: {  	p0 =	sne.s32 s1, $0x0;
	_ =	strace $0x90000047  }
0x96: {  	s0 =	sadd.s32 @!p0 $0x100000, s0;
	[bflag:$0x2] =	sbarrier.arrive $0xFFFF  }
0x97: {  	[sflag:s0] =	ssyncadd.tile.s32 @!p0 $0x1;
	_ =	shalt  }
.Lfunc_end2:
_tile_overlayer_lowered:
.L_overlay_start_2:
0x98: {  	(tag) =	ssettag $0x2  }
0x99: {  	s0 =	rddreg [dreg:$0x0];
	s2 =	stileid.u32  }
0x9a: {  	s1 =	rddreg [dreg:$0x1];
	p0 =	sne.s32 s2, $0x0  }
0x9b: {  	s3 =	rddreg [dreg:$0x2];
	[bflag:$0x3] =	sbarrier.arrive $0xFFFF;
	s2 =	simm.s32 @!p0 $0x1C01  }
0x9c: {  	[timem:s3], [sflag:s2] =	dma.local @!p0 [hbm:s0], s1  }
0x9d: {  	s0 =	simm.s32 @!p0 $0x1  }
0x9e: {  	_ =	swait.ge @!p0 [sflag:s0], s1  }
0x9f: {  	s1 =	ssub.s32 @!p0 $0x0, s1;
	[sflag:s0] =	ssyncset.done @!p0 $0x0  }
0xa0: {  	[sflag:s0] =	ssyncadd.s32 @!p0 s1  }
0xa1: {  	[bflag:$0x3] =	sbarrier.arrive $0xFFFF  }
0xa2: {  	_ =	shalt  }

</sc_bundles>
